<compile_context>
chip_gen: v7x
topology: tpu7x:2x2x1
jax: 0.10.2.dev20260603
libtpu: 0.0.44.dev20260713+nightly
codegen_flags: <defaults>
</compile_context>

<pallas_src>
import functools

import jax
import jax.numpy as jnp
from jax import lax
from jax.experimental import pallas as pl
from jax.experimental.pallas import tpu as pltpu
from jax.experimental.pallas import tpu_sc as plsc

F32 = jnp.float32
I32 = jnp.int32

T = 2048
D = 768
DFF = 2048
ER = 15
CAP = 171
CP = 176
NR = ER * CP
NW = 32
NPAD = NR + NW
TPW = T // NW
RB = 256
DP = D // 2


BF16 = jnp.bfloat16


U16 = jnp.uint16
U32 = jnp.uint32


def _pack(x):
    lo = lax.bitcast_convert_type(x[:, :DP], U16).astype(U32)
    hi = lax.bitcast_convert_type(x[:, DP:], U16).astype(U32)
    return lax.bitcast_convert_type(lo | (hi << 16), I32)


def _unpack(p):
    u = lax.bitcast_convert_type(p, U32)
    lo = lax.bitcast_convert_type((u & 0xFFFF).astype(U16), BF16)
    hi = lax.bitcast_convert_type((u >> 16).astype(U16), BF16)
    return jnp.concatenate([lo, hi], axis=1)


def _ln_router_body(x_ref, e_ref, xn_ref, ds_ref, ci_ref):
    xn_ref[...] = _pack(x_ref[...].astype(BF16))
    e = e_ref[...]
    col = lax.broadcasted_iota(I32, (T, 128), 1)
    oh = (col == e).astype(F32)
    r = lax.broadcasted_iota(I32, (RB, RB), 0)
    c = lax.broadcasted_iota(I32, (RB, RB), 1)
    tri = (r >= c).astype(F32)
    carry = jnp.zeros((1, 128), F32)
    blocks = []
    for i in range(T // RB):
        ohb = oh[i * RB:(i + 1) * RB, :]
        blocks.append(jnp.dot(tri, ohb, preferred_element_type=F32) + carry)
        carry = carry + jnp.sum(ohb, axis=0, keepdims=True)
    pos_incl = jnp.concatenate(blocks, axis=0)
    pos = jnp.sum(oh * pos_incl, axis=1, keepdims=True).astype(I32) - 1
    kept = pos < CAP
    tok = lax.broadcasted_iota(I32, (T, 1), 0)
    ds_ref[...] = jnp.where(kept, e * CP + pos, NR + tok // TPW)
    ci_ref[...] = e * CP + jnp.minimum(pos, CAP)


NF = 2
FC = DFF // NF
NSC = 8
SC_F = DFF // NSC
SRB = T


def _experts_body(d_ref, w1_ref, w3_ref, w2_ref, eo_ref, acc_ref):
    f = pl.program_id(1)
    row = lax.broadcasted_iota(I32, (CP, D), 0)
    xb = jnp.where(row < CAP, _unpack(d_ref[...]), jnp.zeros((), BF16))
    a = jnp.dot(xb, w1_ref[0].astype(BF16), preferred_element_type=F32)
    g = jnp.dot(xb, w3_ref[0].astype(BF16), preferred_element_type=F32)
    h = (a * jax.nn.sigmoid(a) * g).astype(BF16)
    part = jnp.dot(h, w2_ref[0].astype(BF16), preferred_element_type=F32)

    @pl.when(f == 0)
    def _init():
        acc_ref[...] = part

    @pl.when(f > 0)
    def _acc():
        acc_ref[...] += part

    @pl.when(f == NF - 1)
    def _emit():
        eo_ref[...] = _pack(acc_ref[...].astype(BF16))


SHB = 512


def _shared_body(x_ref, w1_ref, w3_ref, w2_ref, r_ref, sc_ref, o_ref):
    xb = _unpack(x_ref[...])
    a = jnp.dot(xb, w1_ref[...].astype(BF16), preferred_element_type=F32)
    g = jnp.dot(xb, w3_ref[...].astype(BF16), preferred_element_type=F32)
    h = (a * jax.nn.sigmoid(a) * g).astype(BF16)
    sh = jnp.dot(h, w2_ref[...].astype(BF16), preferred_element_type=F32)
    o_ref[...] = _unpack(r_ref[...]).astype(F32) + sc_ref[0, 0] * sh


def _num_cores():
    return plsc.get_sparse_core_info().num_cores


def _disp_body(xn_hbm, ds_hbm, disp_hbm, idx_v, rows_v, sem):
    wid = lax.axis_index("s") * _num_cores() + lax.axis_index("c")
    base = wid * TPW
    pltpu.sync_copy(ds_hbm.at[pl.ds(base, TPW)], idx_v)
    pltpu.sync_copy(xn_hbm.at[pl.ds(base, TPW)], rows_v)
    pltpu.async_copy(rows_v, disp_hbm.at[idx_v], sem).wait()


def _combine_body(eo_hbm, ci_hbm, routed_hbm, idx_v, rows_v, sem):
    wid = lax.axis_index("s") * _num_cores() + lax.axis_index("c")
    base = wid * TPW
    pltpu.sync_copy(ci_hbm.at[pl.ds(base, TPW)], idx_v)
    pltpu.async_copy(eo_hbm.at[idx_v], rows_v, sem).wait()
    pltpu.sync_copy(rows_v, routed_hbm.at[pl.ds(base, TPW)])


def kernel(x, ln_scale, ln_bias, router_w, sw1, sw3, sw2, ew1, ew3, ew2, shared_scale):
    xt = x.reshape(T, D)

    mu_r = jnp.mean(xt, axis=-1, keepdims=True)
    var_r = jnp.var(xt, axis=-1, keepdims=True)
    xn_r = (xt - mu_r) / jnp.sqrt(var_r + 1e-5) * ln_scale + ln_bias
    logits = xn_r @ router_w
    e1 = jnp.argmax(logits, axis=-1, keepdims=True).astype(I32)

    xn, ds, ci = pl.pallas_call(
        _ln_router_body,
        out_shape=[
            jax.ShapeDtypeStruct((T, DP), I32),
            jax.ShapeDtypeStruct((T, 1), I32),
            jax.ShapeDtypeStruct((T, 1), I32),
        ],
    )(xn_r, e1)
    ds1 = ds.reshape(T)
    ci1 = ci.reshape(T)

    mesh = plsc.VectorSubcoreMesh(core_axis_name="c", subcore_axis_name="s")
    disp = pl.kernel(
        _disp_body,
        mesh=mesh,
        out_type=jax.ShapeDtypeStruct((NPAD, DP), I32),
        scratch_types=[
            pltpu.VMEM((TPW,), I32),
            pltpu.VMEM((TPW, DP), I32),
            pltpu.SemaphoreType.DMA,
        ],
    )(xn, ds1)

    eo = pl.pallas_call(
        _experts_body,
        grid=(ER, NF),
        in_specs=[
            pl.BlockSpec((CP, DP), lambda e, f: (e, 0)),
            pl.BlockSpec((1, D, FC), lambda e, f: (e, 0, f)),
            pl.BlockSpec((1, D, FC), lambda e, f: (e, 0, f)),
            pl.BlockSpec((1, FC, D), lambda e, f: (e, f, 0)),
        ],
        out_specs=pl.BlockSpec((CP, DP), lambda e, f: (e, 0)),
        out_shape=jax.ShapeDtypeStruct((NR, DP), I32),
        scratch_shapes=[pltpu.VMEM((CP, D), F32)],
    )(disp, ew1, ew3, ew2)

    routed = pl.kernel(
        _combine_body,
        mesh=mesh,
        out_type=jax.ShapeDtypeStruct((T, DP), I32),
        scratch_types=[
            pltpu.VMEM((TPW,), I32),
            pltpu.VMEM((TPW, DP), I32),
            pltpu.SemaphoreType.DMA,
        ],
    )(eo, ci1)

    out = pl.pallas_call(
        _shared_body,
        grid=(T // SHB,),
        in_specs=[
            pl.BlockSpec((SHB, DP), lambda i: (i, 0)),
            pl.BlockSpec((D, DFF), lambda i: (0, 0)),
            pl.BlockSpec((D, DFF), lambda i: (0, 0)),
            pl.BlockSpec((DFF, D), lambda i: (0, 0)),
            pl.BlockSpec((SHB, DP), lambda i: (i, 0)),
            pl.BlockSpec(memory_space=pltpu.SMEM),
        ],
        out_specs=pl.BlockSpec((SHB, D), lambda i: (i, 0)),
        out_shape=jax.ShapeDtypeStruct((T, D), F32),
    )(xn, sw1, sw3, sw2, routed, shared_scale.reshape(1, 1))

    return out.reshape(1, T, D)

# --- scband reference (transcript-rebuilt; emitter-appended) ---
"""Pipeline reference for scband-mo-efeed-forward-dmo-e-55379308315193 (READ-ONLY COPY).

The authoritative reference and input builder live on the scoring server;
editing this copy changes nothing except your own understanding.
"""

import jax, jax.numpy as jnp
import numpy as np

B, S, D = 1, 2048, 768
DFF = 2048
E = 16
NUM_SHARED = 1
ER = E - NUM_SHARED  # 15 routed experts
K = 1
CAP_FACTOR = 1.25


def setup_inputs(seed: int = 0) -> dict:
    key = jax.random.key(seed)
    ks = jax.random.split(key, 12)
    x = jax.random.normal(ks[0], (B, S, D), dtype=jnp.float32)
    ln_scale = jnp.ones((D,), dtype=jnp.float32)
    ln_bias = jnp.zeros((D,), dtype=jnp.float32)
    router_w = jax.random.normal(ks[1], (D, ER), dtype=jnp.float32) * 0.02
    sw1 = jax.random.normal(ks[2], (D, DFF), dtype=jnp.float32) * 0.02
    sw3 = jax.random.normal(ks[3], (D, DFF), dtype=jnp.float32) * 0.02
    sw2 = jax.random.normal(ks[4], (DFF, D), dtype=jnp.float32) * 0.02
    ew1 = jax.random.normal(ks[5], (ER, D, DFF), dtype=jnp.float32) * 0.02
    ew3 = jax.random.normal(ks[6], (ER, D, DFF), dtype=jnp.float32) * 0.02
    ew2 = jax.random.normal(ks[7], (ER, DFF, D), dtype=jnp.float32) * 0.02
    shared_scale = jnp.array(1.0, dtype=jnp.float32)
    return {"x": x, "ln_scale": ln_scale, "ln_bias": ln_bias, "router_w": router_w,
            "sw1": sw1, "sw3": sw3, "sw2": sw2, "ew1": ew1, "ew3": ew3, "ew2": ew2,
            "shared_scale": shared_scale}


def reference(x, ln_scale, ln_bias, router_w, sw1, sw3, sw2, ew1, ew3, ew2, shared_scale):
    b, s, d = x.shape
    T = b * s
    Er = router_w.shape[1]
    C = int(np.ceil(K * T / Er * CAP_FACTOR))
    xt = x.reshape(T, d)
    # input LayerNorm
    mu = jnp.mean(xt, axis=-1, keepdims=True)
    var = jnp.var(xt, axis=-1, keepdims=True)
    xn = (xt - mu) / jnp.sqrt(var + 1e-5) * ln_scale + ln_bias
    # router (noisy_topk in eval: no noise, temperature 1)
    logits = xn @ router_w
    topv, topi = jax.lax.top_k(logits, K)
    gates = jax.nn.softmax(topv, axis=-1)
    e_flat = topi.reshape(-1)
    g_flat = gates.reshape(-1)
    tok = jnp.repeat(jnp.arange(T), K)
    # capacity-based token-choice dispatch
    oh = jax.nn.one_hot(e_flat, Er, dtype=jnp.int32)
    pos = jnp.cumsum(oh, axis=0) - 1
    pos_in = jnp.take_along_axis(pos, e_flat[:, None], axis=1)[:, 0]
    mask = (pos_in < C).astype(x.dtype)
    pc = jnp.clip(pos_in, 0, C - 1)
    disp = jnp.zeros((Er, C, d), dtype=x.dtype).at[e_flat, pc].add(xn[tok] * mask[:, None])
    # routed SwiGLU experts
    h = jax.nn.silu(jnp.einsum('ecd,edf->ecf', disp, ew1)) * jnp.einsum('ecd,edf->ecf', disp, ew3)
    eo = jnp.einsum('ecf,efd->ecd', h, ew2)
    gathered = eo[e_flat, pc]
    routed = jnp.zeros((T, d), dtype=x.dtype).at[tok].add(gathered * (g_flat * mask)[:, None])
    # shared expert (combine='add', learned scalar scale)
    sh = (jax.nn.silu(xn @ sw1) * (xn @ sw3)) @ sw2
    out = routed + shared_scale * sh
    return out.reshape(b, s, d)

if __name__ == "__main__":
    import jax
    _d = setup_inputs()
    print(jax.jit(kernel)(*tuple(_d.values())))

</pallas_src>

<mosaic_0001>
#map = affine_map<(d0, d1) -> (0, 0)>
#map1 = affine_map<(d0, d1) -> (0)>
module attributes {stable_mosaic.version = 14 : i64} {
  func.func @_combine_body(%arg0: i32, %arg1: i32, %arg2: memref<2640x384xi32, #tpu.memory_space<hbm>>, %arg3: memref<2048xi32, #tpu.memory_space<hbm>>, %arg4: memref<2048x384xi32, #tpu.memory_space<hbm>>, %arg5: memref<64xi32, #tpu.memory_space<vmem>>, %arg6: memref<64x384xi32, #tpu.memory_space<vmem>>, %arg7: memref<!tpu.dma_semaphore, #tpu.memory_space<semaphore_mem>>) attributes {dimension_semantics = [#tpu.dimension_semantics<core_parallel>, #tpu.dimension_semantics<subcore_parallel>], iteration_bounds = array<i64: 2, 16>, scalar_prefetch = 0 : i64, scratch_operands = 3 : i64, tpu.core_type = #tpu.core_type<sc_vector_subcore>, window_params = [{transform_indices = #map}, {transform_indices = #map1}, {transform_indices = #map}]} {
    %mul3A = arith.constant 2 : i32
    %mul3A_0 = arith.muli %arg1, %mul3A : i32
    %add3A = arith.addi %mul3A_0, %arg0 : i32
    %mul3A_1 = arith.constant 64 : i32
    %mul3A_2 = arith.muli %add3A, %mul3A_1 : i32
    "tpu.region"() ({
      %run_scoped3A = tpu.sem_alloc : memref<!tpu.dma_semaphore, #tpu.memory_space<semaphore_mem>>
      %dma_start3A_7 = tpu.memref_slice %arg3[%mul3A_2] : memref<2048xi32, #tpu.memory_space<hbm>> -> memref<64xi32, #tpu.memory_space<hbm>>
      %dma_start3A_8 = tpu.memref_slice %arg3[%mul3A_2] : memref<2048xi32, #tpu.memory_space<hbm>> -> memref<64xi32, #tpu.memory_space<hbm>>
      tpu.enqueue_dma source(%dma_start3A_8 : memref<64xi32, #tpu.memory_space<hbm>>) target(%arg5 : memref<64xi32, #tpu.memory_space<vmem>>) target_semaphore(%run_scoped3A : memref<!tpu.dma_semaphore, #tpu.memory_space<semaphore_mem>>)
      %dma_wait3A_9 = tpu.memref_slice %arg3[%mul3A_2] : memref<2048xi32, #tpu.memory_space<hbm>> -> memref<64xi32, #tpu.memory_space<hbm>>
      %dma_wait3A_10 = tpu.memref_slice %arg3[%mul3A_2] : memref<2048xi32, #tpu.memory_space<hbm>> -> memref<64xi32, #tpu.memory_space<hbm>>
      tpu.wait_dma2 semaphore(%run_scoped3A : memref<!tpu.dma_semaphore, #tpu.memory_space<semaphore_mem>>) src(%dma_wait3A_10 : memref<64xi32, #tpu.memory_space<hbm>>) dst(%arg5 : memref<64xi32, #tpu.memory_space<vmem>>)
      tpu.yield
    }) : () -> ()
    %dma_start3A = arith.constant 0 : i32
    %dma_start3A_3 = arith.constant 0 : i32
    %dma_start3A_4 = tpu.memref_slice %arg2[%dma_start3A, %dma_start3A_3] : memref<2640x384xi32, #tpu.memory_space<hbm>> -> memref<2640x384xi32, #tpu.memory_space<hbm>>
    tpu.enqueue_indirect_dma source(%dma_start3A_4 : memref<2640x384xi32, #tpu.memory_space<hbm>>) target(%arg6 : memref<64x384xi32, #tpu.memory_space<vmem>>) offsets(%arg5 : memref<64xi32, #tpu.memory_space<vmem>>) semaphore(%arg7 : memref<!tpu.dma_semaphore, #tpu.memory_space<semaphore_mem>>)
    %dma_wait3A = arith.constant 0 : i32
    %dma_wait3A_5 = arith.constant 0 : i32
    %dma_wait3A_6 = tpu.memref_slice %arg2[%dma_wait3A, %dma_wait3A_5] : memref<2640x384xi32, #tpu.memory_space<hbm>> -> memref<2640x384xi32, #tpu.memory_space<hbm>>
    tpu.wait_indirect_dma semaphore(%arg7 : memref<!tpu.dma_semaphore, #tpu.memory_space<semaphore_mem>>) src(%dma_wait3A_6 : memref<2640x384xi32, #tpu.memory_space<hbm>>) dst(%arg6 : memref<64x384xi32, #tpu.memory_space<vmem>>)
    "tpu.region"() ({
      %run_scoped3A = tpu.sem_alloc : memref<!tpu.dma_semaphore, #tpu.memory_space<semaphore_mem>>
      %dma_start3A_7 = arith.constant 0 : i32
      %dma_start3A_8 = tpu.memref_slice %arg4[%mul3A_2, %dma_start3A_7] : memref<2048x384xi32, #tpu.memory_space<hbm>> -> memref<64x384xi32, #tpu.memory_space<hbm>>
      %dma_start3A_9 = arith.constant 0 : i32
      %dma_start3A_10 = tpu.memref_slice %arg4[%mul3A_2, %dma_start3A_9] : memref<2048x384xi32, #tpu.memory_space<hbm>> -> memref<64x384xi32, #tpu.memory_space<hbm>>
      tpu.enqueue_dma source(%arg6 : memref<64x384xi32, #tpu.memory_space<vmem>>) target(%dma_start3A_10 : memref<64x384xi32, #tpu.memory_space<hbm>>) target_semaphore(%run_scoped3A : memref<!tpu.dma_semaphore, #tpu.memory_space<semaphore_mem>>)
      %dma_wait3A_11 = arith.constant 0 : i32
      %dma_wait3A_12 = tpu.memref_slice %arg4[%mul3A_2, %dma_wait3A_11] : memref<2048x384xi32, #tpu.memory_space<hbm>> -> memref<64x384xi32, #tpu.memory_space<hbm>>
      %dma_wait3A_13 = arith.constant 0 : i32
      %dma_wait3A_14 = tpu.memref_slice %arg4[%mul3A_2, %dma_wait3A_13] : memref<2048x384xi32, #tpu.memory_space<hbm>> -> memref<64x384xi32, #tpu.memory_space<hbm>>
      tpu.wait_dma2 semaphore(%run_scoped3A : memref<!tpu.dma_semaphore, #tpu.memory_space<semaphore_mem>>) src(%arg6 : memref<64x384xi32, #tpu.memory_space<vmem>>) dst(%dma_wait3A_14 : memref<64x384xi32, #tpu.memory_space<hbm>>)
      tpu.yield
    }) : () -> ()
    return
  }
}

#map = affine_map<(d0, d1) -> (0, 0)>
#map1 = affine_map<(d0, d1) -> (0)>
module attributes {stable_mosaic.version = 14 : i64} {
  func.func @_disp_body(%arg0: i32, %arg1: i32, %arg2: memref<2048x384xi32, #tpu.memory_space<hbm>>, %arg3: memref<2048xi32, #tpu.memory_space<hbm>>, %arg4: memref<2672x384xi32, #tpu.memory_space<hbm>>, %arg5: memref<64xi32, #tpu.memory_space<vmem>>, %arg6: memref<64x384xi32, #tpu.memory_space<vmem>>, %arg7: memref<!tpu.dma_semaphore, #tpu.memory_space<semaphore_mem>>) attributes {dimension_semantics = [#tpu.dimension_semantics<core_parallel>, #tpu.dimension_semantics<subcore_parallel>], iteration_bounds = array<i64: 2, 16>, scalar_prefetch = 0 : i64, scratch_operands = 3 : i64, tpu.core_type = #tpu.core_type<sc_vector_subcore>, window_params = [{transform_indices = #map}, {transform_indices = #map1}, {transform_indices = #map}]} {
    %mul3A = arith.constant 2 : i32
    %mul3A_0 = arith.muli %arg1, %mul3A : i32
    %add3A = arith.addi %mul3A_0, %arg0 : i32
    %mul3A_1 = arith.constant 64 : i32
    %mul3A_2 = arith.muli %add3A, %mul3A_1 : i32
    "tpu.region"() ({
      %run_scoped3A = tpu.sem_alloc : memref<!tpu.dma_semaphore, #tpu.memory_space<semaphore_mem>>
      %dma_start3A_7 = tpu.memref_slice %arg3[%mul3A_2] : memref<2048xi32, #tpu.memory_space<hbm>> -> memref<64xi32, #tpu.memory_space<hbm>>
      %dma_start3A_8 = tpu.memref_slice %arg3[%mul3A_2] : memref<2048xi32, #tpu.memory_space<hbm>> -> memref<64xi32, #tpu.memory_space<hbm>>
      tpu.enqueue_dma source(%dma_start3A_8 : memref<64xi32, #tpu.memory_space<hbm>>) target(%arg5 : memref<64xi32, #tpu.memory_space<vmem>>) target_semaphore(%run_scoped3A : memref<!tpu.dma_semaphore, #tpu.memory_space<semaphore_mem>>)
      %dma_wait3A_9 = tpu.memref_slice %arg3[%mul3A_2] : memref<2048xi32, #tpu.memory_space<hbm>> -> memref<64xi32, #tpu.memory_space<hbm>>
      %dma_wait3A_10 = tpu.memref_slice %arg3[%mul3A_2] : memref<2048xi32, #tpu.memory_space<hbm>> -> memref<64xi32, #tpu.memory_space<hbm>>
      tpu.wait_dma2 semaphore(%run_scoped3A : memref<!tpu.dma_semaphore, #tpu.memory_space<semaphore_mem>>) src(%dma_wait3A_10 : memref<64xi32, #tpu.memory_space<hbm>>) dst(%arg5 : memref<64xi32, #tpu.memory_space<vmem>>)
      tpu.yield
    }) : () -> ()
    "tpu.region"() ({
      %run_scoped3A = tpu.sem_alloc : memref<!tpu.dma_semaphore, #tpu.memory_space<semaphore_mem>>
      %dma_start3A_7 = arith.constant 0 : i32
      %dma_start3A_8 = tpu.memref_slice %arg2[%mul3A_2, %dma_start3A_7] : memref<2048x384xi32, #tpu.memory_space<hbm>> -> memref<64x384xi32, #tpu.memory_space<hbm>>
      %dma_start3A_9 = arith.constant 0 : i32
      %dma_start3A_10 = tpu.memref_slice %arg2[%mul3A_2, %dma_start3A_9] : memref<2048x384xi32, #tpu.memory_space<hbm>> -> memref<64x384xi32, #tpu.memory_space<hbm>>
      tpu.enqueue_dma source(%dma_start3A_10 : memref<64x384xi32, #tpu.memory_space<hbm>>) target(%arg6 : memref<64x384xi32, #tpu.memory_space<vmem>>) target_semaphore(%run_scoped3A : memref<!tpu.dma_semaphore, #tpu.memory_space<semaphore_mem>>)
      %dma_wait3A_11 = arith.constant 0 : i32
      %dma_wait3A_12 = tpu.memref_slice %arg2[%mul3A_2, %dma_wait3A_11] : memref<2048x384xi32, #tpu.memory_space<hbm>> -> memref<64x384xi32, #tpu.memory_space<hbm>>
      %dma_wait3A_13 = arith.constant 0 : i32
      %dma_wait3A_14 = tpu.memref_slice %arg2[%mul3A_2, %dma_wait3A_13] : memref<2048x384xi32, #tpu.memory_space<hbm>> -> memref<64x384xi32, #tpu.memory_space<hbm>>
      tpu.wait_dma2 semaphore(%run_scoped3A : memref<!tpu.dma_semaphore, #tpu.memory_space<semaphore_mem>>) src(%dma_wait3A_14 : memref<64x384xi32, #tpu.memory_space<hbm>>) dst(%arg6 : memref<64x384xi32, #tpu.memory_space<vmem>>)
      tpu.yield
    }) : () -> ()
    %dma_start3A = arith.constant 0 : i32
    %dma_start3A_3 = arith.constant 0 : i32
    %dma_start3A_4 = tpu.memref_slice %arg4[%dma_start3A, %dma_start3A_3] : memref<2672x384xi32, #tpu.memory_space<hbm>> -> memref<2672x384xi32, #tpu.memory_space<hbm>>
    tpu.enqueue_indirect_dma source(%arg6 : memref<64x384xi32, #tpu.memory_space<vmem>>) target(%dma_start3A_4 : memref<2672x384xi32, #tpu.memory_space<hbm>>) offsets(%arg5 : memref<64xi32, #tpu.memory_space<vmem>>) semaphore(%arg7 : memref<!tpu.dma_semaphore, #tpu.memory_space<semaphore_mem>>)
    %dma_wait3A = arith.constant 0 : i32
    %dma_wait3A_5 = arith.constant 0 : i32
    %dma_wait3A_6 = tpu.memref_slice %arg4[%dma_wait3A, %dma_wait3A_5] : memref<2672x384xi32, #tpu.memory_space<hbm>> -> memref<2672x384xi32, #tpu.memory_space<hbm>>
    tpu.wait_indirect_dma semaphore(%arg7 : memref<!tpu.dma_semaphore, #tpu.memory_space<semaphore_mem>>) src(%arg6 : memref<64x384xi32, #tpu.memory_space<vmem>>) dst(%dma_wait3A_6 : memref<2672x384xi32, #tpu.memory_space<hbm>>)
    return
  }
}

module attributes {stable_mosaic.version = 14 : i64} {
  func.func @_ln_router_body(%arg0: memref<2048x768xf32, #tpu.memory_space<vmem>>, %arg1: memref<2048x1xi32, #tpu.memory_space<vmem>>, %arg2: memref<2048x384xi32, #tpu.memory_space<vmem>>, %arg3: memref<2048x1xi32, #tpu.memory_space<vmem>>, %arg4: memref<2048x1xi32, #tpu.memory_space<vmem>>) attributes {dimension_semantics = [], scalar_prefetch = 0 : i64, scratch_operands = 0 : i64, tpu.core_type = #tpu.core_type<tc>} {
    %get3A = arith.constant 0 : index
    %get3A_0 = arith.constant 0 : index
    %get3A_1 = vector.load %arg0[%get3A, %get3A_0] : memref<2048x768xf32, #tpu.memory_space<vmem>>, vector<2048x768xf32>
    %convert_element_type3A = arith.truncf %get3A_1 : vector<2048x768xf32> to vector<2048x768xbf16>
    %slice3A = vector.extract_strided_slice %convert_element_type3A {offsets = [0, 0], sizes = [2048, 384], strides = [1, 1]} : vector<2048x768xbf16> to vector<2048x384xbf16>
    %bitcast_convert_type3A = tpu.bitcast %slice3A : vector<2048x384xbf16> -> vector<2048x384xi16>
    %convert_element_type3A_2 = arith.extui %bitcast_convert_type3A : vector<2048x384xi16> to vector<2048x384xi32>
    %slice3A_3 = vector.extract_strided_slice %convert_element_type3A {offsets = [0, 384], sizes = [2048, 384], strides = [1, 1]} : vector<2048x768xbf16> to vector<2048x384xbf16>
    %bitcast_convert_type3A_4 = tpu.bitcast %slice3A_3 : vector<2048x384xbf16> -> vector<2048x384xi16>
    %convert_element_type3A_5 = arith.extui %bitcast_convert_type3A_4 : vector<2048x384xi16> to vector<2048x384xi32>
    %shift_left3A = arith.constant 16 : i32
    %shift_left3A_6 = vector.broadcast %shift_left3A : i32 to vector<2048x384xi32>
    %shift_left3A_7 = arith.shli %convert_element_type3A_5, %shift_left3A_6 : vector<2048x384xi32>
    %or3A = arith.ori %convert_element_type3A_2, %shift_left3A_7 : vector<2048x384xi32>
    %bitcast_convert_type3A_8 = tpu.bitcast %or3A : vector<2048x384xi32> -> vector<2048x384xi32>
    %swap3A = arith.constant 0 : index
    %swap3A_9 = arith.constant 0 : index
    %swap3A_10 = vector.load %arg2[%swap3A, %swap3A_9] : memref<2048x384xi32, #tpu.memory_space<vmem>>, vector<2048x384xi32>
    tpu.vector_store %arg2[%swap3A, %swap3A_9], %bitcast_convert_type3A_8 {strides = array<i32>} : memref<2048x384xi32, #tpu.memory_space<vmem>>, vector<2048x384xi32>,
    %get3A_11 = arith.constant 0 : index
    %get3A_12 = arith.constant 0 : index
    %get3A_13 = vector.load %arg1[%get3A_11, %get3A_12] : memref<2048x1xi32, #tpu.memory_space<vmem>>, vector<2048x1xi32>
    %iota3A = tpu.iota {dimensions = array<i32: 1>} : vector<2048x128xi32>
    %eq3A = vector.broadcast %get3A_13 : vector<2048x1xi32> to vector<2048x128xi32>
    %eq3A_14 = arith.cmpi eq, %iota3A, %eq3A : vector<2048x128xi32>
    %convert_element_type3A_15 = arith.extui %eq3A_14 : vector<2048x128xi1> to vector<2048x128xi32>
    %convert_element_type3A_16 = arith.sitofp %convert_element_type3A_15 : vector<2048x128xi32> to vector<2048x128xf32>
    %iota3A_17 = tpu.iota {dimensions = array<i32: 0>} : vector<256x256xi32>
    %iota3A_18 = tpu.iota {dimensions = array<i32: 1>} : vector<256x256xi32>
    %ge3A = arith.cmpi sge, %iota3A_17, %iota3A_18 : vector<256x256xi32>
    %convert_element_type3A_19 = arith.extui %ge3A : vector<256x256xi1> to vector<256x256xi32>
    %convert_element_type3A_20 = arith.sitofp %convert_element_type3A_19 : vector<256x256xi32> to vector<256x256xf32>
    %broadcast_in_dim3A = arith.constant 0.000000e+00 : f32
    %broadcast_in_dim3A_21 = vector.broadcast %broadcast_in_dim3A : f32 to vector<1x128xf32>
    %slice3A_22 = vector.extract_strided_slice %convert_element_type3A_16 {offsets = [0, 0], sizes = [256, 128], strides = [1, 1]} : vector<2048x128xf32> to vector<256x128xf32>
    %dot_general3A = arith.constant dense<0.000000e+00> : vector<256x128xf32>
    %dot_general3A_23 = tpu.matmul %convert_element_type3A_20, %slice3A_22, %dot_general3A {dimension_numbers = #tpu.dot_dimension_numbers<[1], [0], [0], [1], [0, 0, 1, 1], [], []>, transpose_lhs_hint = false} : vector<256x256xf32>, vector<256x128xf32>, vector<256x128xf32> -> vector<256x128xf32>
    %add3A = vector.broadcast %broadcast_in_dim3A_21 : vector<1x128xf32> to vector<256x128xf32>
    %add3A_24 = arith.addf %dot_general3A_23, %add3A : vector<256x128xf32>
    %reduce_sum3A = arith.constant dense<0.000000e+00> : vector<128xf32>
    %reduce_sum3A_25 = vector.multi_reduction <add>, %slice3A_22, %reduce_sum3A [0] : vector<256x128xf32> to vector<128xf32>
    %broadcast_in_dim3A_26 = vector.shape_cast %reduce_sum3A_25 : vector<128xf32> to vector<1x128xf32>
    %add3A_27 = arith.addf %broadcast_in_dim3A_21, %broadcast_in_dim3A_26 : vector<1x128xf32>
    %slice3A_28 = vector.extract_strided_slice %convert_element_type3A_16 {offsets = [256, 0], sizes = [256, 128], strides = [1, 1]} : vector<2048x128xf32> to vector<256x128xf32>
    %dot_general3A_29 = arith.constant dense<0.000000e+00> : vector<256x128xf32>
    %dot_general3A_30 = tpu.matmul %convert_element_type3A_20, %slice3A_28, %dot_general3A_29 {dimension_numbers = #tpu.dot_dimension_numbers<[1], [0], [0], [1], [0, 0, 1, 1], [], []>, transpose_lhs_hint = false} : vector<256x256xf32>, vector<256x128xf32>, vector<256x128xf32> -> vector<256x128xf32>
    %add3A_31 = vector.broadcast %add3A_27 : vector<1x128xf32> to vector<256x128xf32>
    %add3A_32 = arith.addf %dot_general3A_30, %add3A_31 : vector<256x128xf32>
    %reduce_sum3A_33 = arith.constant dense<0.000000e+00> : vector<128xf32>
    %reduce_sum3A_34 = vector.multi_reduction <add>, %slice3A_28, %reduce_sum3A_33 [0] : vector<256x128xf32> to vector<128xf32>
    %broadcast_in_dim3A_35 = vector.shape_cast %reduce_sum3A_34 : vector<128xf32> to vector<1x128xf32>
    %add3A_36 = arith.addf %add3A_27, %broadcast_in_dim3A_35 : vector<1x128xf32>
    %slice3A_37 = vector.extract_strided_slice %convert_element_type3A_16 {offsets = [512, 0], sizes = [256, 128], strides = [1, 1]} : vector<2048x128xf32> to vector<256x128xf32>
    %dot_general3A_38 = arith.constant dense<0.000000e+00> : vector<256x128xf32>
    %dot_general3A_39 = tpu.matmul %convert_element_type3A_20, %slice3A_37, %dot_general3A_38 {dimension_numbers = #tpu.dot_dimension_numbers<[1], [0], [0], [1], [0, 0, 1, 1], [], []>, transpose_lhs_hint = false} : vector<256x256xf32>, vector<256x128xf32>, vector<256x128xf32> -> vector<256x128xf32>
    %add3A_40 = vector.broadcast %add3A_36 : vector<1x128xf32> to vector<256x128xf32>
    %add3A_41 = arith.addf %dot_general3A_39, %add3A_40 : vector<256x128xf32>
    %reduce_sum3A_42 = arith.constant dense<0.000000e+00> : vector<128xf32>
    %reduce_sum3A_43 = vector.multi_reduction <add>, %slice3A_37, %reduce_sum3A_42 [0] : vector<256x128xf32> to vector<128xf32>
    %broadcast_in_dim3A_44 = vector.shape_cast %reduce_sum3A_43 : vector<128xf32> to vector<1x128xf32>
    %add3A_45 = arith.addf %add3A_36, %broadcast_in_dim3A_44 : vector<1x128xf32>
    %slice3A_46 = vector.extract_strided_slice %convert_element_type3A_16 {offsets = [768, 0], sizes = [256, 128], strides = [1, 1]} : vector<2048x128xf32> to vector<256x128xf32>
    %dot_general3A_47 = arith.constant dense<0.000000e+00> : vector<256x128xf32>
    %dot_general3A_48 = tpu.matmul %convert_element_type3A_20, %slice3A_46, %dot_general3A_47 {dimension_numbers = #tpu.dot_dimension_numbers<[1], [0], [0], [1], [0, 0, 1, 1], [], []>, transpose_lhs_hint = false} : vector<256x256xf32>, vector<256x128xf32>, vector<256x128xf32> -> vector<256x128xf32>
    %add3A_49 = vector.broadcast %add3A_45 : vector<1x128xf32> to vector<256x128xf32>
    %add3A_50 = arith.addf %dot_general3A_48, %add3A_49 : vector<256x128xf32>
    %reduce_sum3A_51 = arith.constant dense<0.000000e+00> : vector<128xf32>
    %reduce_sum3A_52 = vector.multi_reduction <add>, %slice3A_46, %reduce_sum3A_51 [0] : vector<256x128xf32> to vector<128xf32>
    %broadcast_in_dim3A_53 = vector.shape_cast %reduce_sum3A_52 : vector<128xf32> to vector<1x128xf32>
    %add3A_54 = arith.addf %add3A_45, %broadcast_in_dim3A_53 : vector<1x128xf32>
    %slice3A_55 = vector.extract_strided_slice %convert_element_type3A_16 {offsets = [1024, 0], sizes = [256, 128], strides = [1, 1]} : vector<2048x128xf32> to vector<256x128xf32>
    %dot_general3A_56 = arith.constant dense<0.000000e+00> : vector<256x128xf32>
    %dot_general3A_57 = tpu.matmul %convert_element_type3A_20, %slice3A_55, %dot_general3A_56 {dimension_numbers = #tpu.dot_dimension_numbers<[1], [0], [0], [1], [0, 0, 1, 1], [], []>, transpose_lhs_hint = false} : vector<256x256xf32>, vector<256x128xf32>, vector<256x128xf32> -> vector<256x128xf32>
    %add3A_58 = vector.broadcast %add3A_54 : vector<1x128xf32> to vector<256x128xf32>
    %add3A_59 = arith.addf %dot_general3A_57, %add3A_58 : vector<256x128xf32>
    %reduce_sum3A_60 = arith.constant dense<0.000000e+00> : vector<128xf32>
    %reduce_sum3A_61 = vector.multi_reduction <add>, %slice3A_55, %reduce_sum3A_60 [0] : vector<256x128xf32> to vector<128xf32>
    %broadcast_in_dim3A_62 = vector.shape_cast %reduce_sum3A_61 : vector<128xf32> to vector<1x128xf32>
    %add3A_63 = arith.addf %add3A_54, %broadcast_in_dim3A_62 : vector<1x128xf32>
    %slice3A_64 = vector.extract_strided_slice %convert_element_type3A_16 {offsets = [1280, 0], sizes = [256, 128], strides = [1, 1]} : vector<2048x128xf32> to vector<256x128xf32>
    %dot_general3A_65 = arith.constant dense<0.000000e+00> : vector<256x128xf32>
    %dot_general3A_66 = tpu.matmul %convert_element_type3A_20, %slice3A_64, %dot_general3A_65 {dimension_numbers = #tpu.dot_dimension_numbers<[1], [0], [0], [1], [0, 0, 1, 1], [], []>, transpose_lhs_hint = false} : vector<256x256xf32>, vector<256x128xf32>, vector<256x128xf32> -> vector<256x128xf32>
    %add3A_67 = vector.broadcast %add3A_63 : vector<1x128xf32> to vector<256x128xf32>
    %add3A_68 = arith.addf %dot_general3A_66, %add3A_67 : vector<256x128xf32>
    %reduce_sum3A_69 = arith.constant dense<0.000000e+00> : vector<128xf32>
    %reduce_sum3A_70 = vector.multi_reduction <add>, %slice3A_64, %reduce_sum3A_69 [0] : vector<256x128xf32> to vector<128xf32>
    %broadcast_in_dim3A_71 = vector.shape_cast %reduce_sum3A_70 : vector<128xf32> to vector<1x128xf32>
    %add3A_72 = arith.addf %add3A_63, %broadcast_in_dim3A_71 : vector<1x128xf32>
    %slice3A_73 = vector.extract_strided_slice %convert_element_type3A_16 {offsets = [1536, 0], sizes = [256, 128], strides = [1, 1]} : vector<2048x128xf32> to vector<256x128xf32>
    %dot_general3A_74 = arith.constant dense<0.000000e+00> : vector<256x128xf32>
    %dot_general3A_75 = tpu.matmul %convert_element_type3A_20, %slice3A_73, %dot_general3A_74 {dimension_numbers = #tpu.dot_dimension_numbers<[1], [0], [0], [1], [0, 0, 1, 1], [], []>, transpose_lhs_hint = false} : vector<256x256xf32>, vector<256x128xf32>, vector<256x128xf32> -> vector<256x128xf32>
    %add3A_76 = vector.broadcast %add3A_72 : vector<1x128xf32> to vector<256x128xf32>
    %add3A_77 = arith.addf %dot_general3A_75, %add3A_76 : vector<256x128xf32>
    %reduce_sum3A_78 = arith.constant dense<0.000000e+00> : vector<128xf32>
    %reduce_sum3A_79 = vector.multi_reduction <add>, %slice3A_73, %reduce_sum3A_78 [0] : vector<256x128xf32> to vector<128xf32>
    %broadcast_in_dim3A_80 = vector.shape_cast %reduce_sum3A_79 : vector<128xf32> to vector<1x128xf32>
    %add3A_81 = arith.addf %add3A_72, %broadcast_in_dim3A_80 : vector<1x128xf32>
    %slice3A_82 = vector.extract_strided_slice %convert_element_type3A_16 {offsets = [1792, 0], sizes = [256, 128], strides = [1, 1]} : vector<2048x128xf32> to vector<256x128xf32>
    %dot_general3A_83 = arith.constant dense<0.000000e+00> : vector<256x128xf32>
    %dot_general3A_84 = tpu.matmul %convert_element_type3A_20, %slice3A_82, %dot_general3A_83 {dimension_numbers = #tpu.dot_dimension_numbers<[1], [0], [0], [1], [0, 0, 1, 1], [], []>, transpose_lhs_hint = false} : vector<256x256xf32>, vector<256x128xf32>, vector<256x128xf32> -> vector<256x128xf32>
    %add3A_85 = vector.broadcast %add3A_81 : vector<1x128xf32> to vector<256x128xf32>
    %add3A_86 = arith.addf %dot_general3A_84, %add3A_85 : vector<256x128xf32>
    %concatenate3A = tpu.concatenate %add3A_24, %add3A_32, %add3A_41, %add3A_50, %add3A_59, %add3A_68, %add3A_77, %add3A_86 in 0 : vector<256x128xf32>, vector<256x128xf32>, vector<256x128xf32>, vector<256x128xf32>, vector<256x128xf32>, vector<256x128xf32>, vector<256x128xf32>, vector<256x128xf32> -> vector<2048x128xf32>
    %mul3A = arith.mulf %convert_element_type3A_16, %concatenate3A : vector<2048x128xf32>
    %reduce_sum3A_87 = arith.constant dense<0.000000e+00> : vector<2048xf32>
    %reduce_sum3A_88 = vector.multi_reduction <add>, %mul3A, %reduce_sum3A_87 [1] : vector<2048x128xf32> to vector<2048xf32>
    %broadcast_in_dim3A_89 = vector.shape_cast %reduce_sum3A_88 : vector<2048xf32> to vector<2048x1xf32>
    %convert_element_type3A_90 = arith.fptosi %broadcast_in_dim3A_89 : vector<2048x1xf32> to vector<2048x1xi32>
    %sub3A = arith.constant 1 : i32
    %sub3A_91 = vector.broadcast %sub3A : i32 to vector<2048x1xi32>
    %sub3A_92 = arith.subi %convert_element_type3A_90, %sub3A_91 : vector<2048x1xi32>
    %lt3A = arith.constant 171 : i32
    %lt3A_93 = vector.broadcast %lt3A : i32 to vector<2048x1xi32>
    %lt3A_94 = arith.cmpi slt, %sub3A_92, %lt3A_93 : vector<2048x1xi32>
    %iota3A_95 = tpu.iota {dimensions = array<i32: 0>} : vector<2048x1xi32>
    %mul3A_96 = arith.constant 176 : i32
    %mul3A_97 = vector.broadcast %mul3A_96 : i32 to vector<2048x1xi32>
    %mul3A_98 = arith.muli %get3A_13, %mul3A_97 : vector<2048x1xi32>
    %add3A_99 = arith.addi %mul3A_98, %sub3A_92 : vector<2048x1xi32>
    %jit3A = arith.constant 64 : i32
    %div3A = vector.broadcast %jit3A : i32 to vector<2048x1xi32>
    %div3A_100 = arith.divsi %iota3A_95, %div3A : vector<2048x1xi32>
    %sign3A = arith.constant 0 : i32
    %sign3A_101 = vector.broadcast %sign3A : i32 to vector<2048x1xi32>
    %sign3A_102 = arith.cmpi sgt, %iota3A_95, %sign3A_101 : vector<2048x1xi32>
    %sign3A_103 = arith.extui %sign3A_102 : vector<2048x1xi1> to vector<2048x1xi32>
    %sign3A_104 = arith.constant 0 : i32
    %sign3A_105 = vector.broadcast %sign3A_104 : i32 to vector<2048x1xi32>
    %sign3A_106 = arith.cmpi slt, %iota3A_95, %sign3A_105 : vector<2048x1xi32>
    %sign3A_107 = arith.extui %sign3A_106 : vector<2048x1xi1> to vector<2048x1xi32>
    %sign3A_108 = arith.subi %sign3A_103, %sign3A_107 : vector<2048x1xi32>
    %sign3A_109 = arith.constant 0 : i32
    %sign3A_110 = arith.cmpi sgt, %jit3A, %sign3A_109 : i32
    %sign3A_111 = arith.extui %sign3A_110 : i1 to i32
    %sign3A_112 = arith.constant 0 : i32
    %sign3A_113 = arith.cmpi slt, %jit3A, %sign3A_112 : i32
    %sign3A_114 = arith.extui %sign3A_113 : i1 to i32
    %sign3A_115 = arith.subi %sign3A_111, %sign3A_114 : i32
    %ne3A = vector.broadcast %sign3A_115 : i32 to vector<2048x1xi32>
    %ne3A_116 = arith.cmpi ne, %sign3A_108, %ne3A : vector<2048x1xi32>
    %rem3A = vector.broadcast %jit3A : i32 to vector<2048x1xi32>
    %rem3A_117 = arith.remsi %iota3A_95, %rem3A : vector<2048x1xi32>
    %ne3A_118 = arith.constant 0 : i32
    %ne3A_119 = vector.broadcast %ne3A_118 : i32 to vector<2048x1xi32>
    %ne3A_120 = arith.cmpi ne, %rem3A_117, %ne3A_119 : vector<2048x1xi32>
    %and3A = arith.andi %ne3A_116, %ne3A_120 : vector<2048x1xi1>
    %sub3A_121 = arith.constant 1 : i32
    %sub3A_122 = vector.broadcast %sub3A_121 : i32 to vector<2048x1xi32>
    %sub3A_123 = arith.subi %div3A_100, %sub3A_122 : vector<2048x1xi32>
    %select_n3A = arith.select %and3A, %sub3A_123, %div3A_100 : vector<2048x1xi1>, vector<2048x1xi32>
    %add3A_124 = arith.constant 2640 : i32
    %add3A_125 = vector.broadcast %add3A_124 : i32 to vector<2048x1xi32>
    %add3A_126 = arith.addi %add3A_125, %select_n3A : vector<2048x1xi32>
    %select_n3A_127 = arith.select %lt3A_94, %add3A_99, %add3A_126 : vector<2048x1xi1>, vector<2048x1xi32>
    %swap3A_128 = arith.constant 0 : index
    %swap3A_129 = arith.constant 0 : index
    %swap3A_130 = vector.load %arg3[%swap3A_128, %swap3A_129] : memref<2048x1xi32, #tpu.memory_space<vmem>>, vector<2048x1xi32>
    tpu.vector_store %arg3[%swap3A_128, %swap3A_129], %select_n3A_127 {strides = array<i32>} : memref<2048x1xi32, #tpu.memory_space<vmem>>, vector<2048x1xi32>,
    %mul3A_131 = arith.constant 176 : i32
    %mul3A_132 = vector.broadcast %mul3A_131 : i32 to vector<2048x1xi32>
    %mul3A_133 = arith.muli %get3A_13, %mul3A_132 : vector<2048x1xi32>
    %min3A = arith.constant 171 : i32
    %min3A_134 = vector.broadcast %min3A : i32 to vector<2048x1xi32>
    %min3A_135 = arith.minsi %sub3A_92, %min3A_134 : vector<2048x1xi32>
    %add3A_136 = arith.addi %mul3A_133, %min3A_135 : vector<2048x1xi32>
    %swap3A_137 = arith.constant 0 : index
    %swap3A_138 = arith.constant 0 : index
    %swap3A_139 = vector.load %arg4[%swap3A_137, %swap3A_138] : memref<2048x1xi32, #tpu.memory_space<vmem>>, vector<2048x1xi32>
    tpu.vector_store %arg4[%swap3A_137, %swap3A_138], %add3A_136 {strides = array<i32>} : memref<2048x1xi32, #tpu.memory_space<vmem>>, vector<2048x1xi32>,
    return
  }
}

module attributes {stable_mosaic.version = 14 : i64} {
  func.func @_experts_body(%arg0: i32, %arg1: i32, %arg2: memref<176x384xi32, #tpu.memory_space<vmem>>, %arg3: memref<1x768x1024xf32, #tpu.memory_space<vmem>>, %arg4: memref<1x768x1024xf32, #tpu.memory_space<vmem>>, %arg5: memref<1x1024x768xf32, #tpu.memory_space<vmem>>, %arg6: memref<176x384xi32, #tpu.memory_space<vmem>>, %arg7: memref<176x768xf32, #tpu.memory_space<vmem>>) attributes {dimension_semantics = [#tpu.dimension_semantics<arbitrary>, #tpu.dimension_semantics<arbitrary>], iteration_bounds = array<i64: 15, 2>, scalar_prefetch = 0 : i64, scratch_operands = 1 : i64, tpu.core_type = #tpu.core_type<tc>, window_params = [{transform_indices = @transform_0, window_bounds = array<i64: 176, 384>}, {transform_indices = @transform_1, window_bounds = array<i64: 1, 768, 1024>}, {transform_indices = @transform_2, window_bounds = array<i64: 1, 768, 1024>}, {transform_indices = @transform_3, window_bounds = array<i64: 1, 1024, 768>}, {transform_indices = @transform_4, window_bounds = array<i64: 176, 384>}]} {
    %iota3A = tpu.iota {dimensions = array<i32: 0>} : vector<176x768xi32>
    %lt3A = arith.constant 171 : i32
    %lt3A_0 = vector.broadcast %lt3A : i32 to vector<176x768xi32>
    %lt3A_1 = arith.cmpi slt, %iota3A, %lt3A_0 : vector<176x768xi32>
    %get3A = arith.constant 0 : index
    %get3A_2 = arith.constant 0 : index
    %get3A_3 = vector.load %arg2[%get3A, %get3A_2] : memref<176x384xi32, #tpu.memory_space<vmem>>, vector<176x384xi32>
    %bitcast_convert_type3A = tpu.bitcast %get3A_3 : vector<176x384xi32> -> vector<176x384xi32>
    %and3A = arith.constant 65535 : i32
    %and3A_4 = vector.broadcast %and3A : i32 to vector<176x384xi32>
    %and3A_5 = arith.andi %bitcast_convert_type3A, %and3A_4 : vector<176x384xi32>
    %convert_element_type3A = arith.trunci %and3A_5 : vector<176x384xi32> to vector<176x384xi16>
    %bitcast_convert_type3A_6 = tpu.bitcast %convert_element_type3A : vector<176x384xi16> -> vector<176x384xbf16>
    %shift_right_logical3A = arith.constant 16 : i32
    %shift_right_logical3A_7 = vector.broadcast %shift_right_logical3A : i32 to vector<176x384xi32>
    %shift_right_logical3A_8 = arith.shrui %bitcast_convert_type3A, %shift_right_logical3A_7 : vector<176x384xi32>
    %convert_element_type3A_9 = arith.trunci %shift_right_logical3A_8 : vector<176x384xi32> to vector<176x384xi16>
    %bitcast_convert_type3A_10 = tpu.bitcast %convert_element_type3A_9 : vector<176x384xi16> -> vector<176x384xbf16>
    %concatenate3A = tpu.concatenate %bitcast_convert_type3A_6, %bitcast_convert_type3A_10 in 1 : vector<176x384xbf16>, vector<176x384xbf16> -> vector<176x768xbf16>
    %jit3A = arith.constant 0.000000e+00 : bf16
    %broadcast_in_dim3A = vector.broadcast %jit3A : bf16 to vector<176x768xbf16>
    %select_n3A = arith.select %lt3A_1, %concatenate3A, %broadcast_in_dim3A : vector<176x768xi1>, vector<176x768xbf16>
    %get3A_11 = arith.constant 0 : index
    %get3A_12 = arith.constant 0 : index
    %get3A_13 = arith.constant 0 : index
    %get3A_14 = vector.load %arg3[%get3A_11, %get3A_12, %get3A_13] : memref<1x768x1024xf32, #tpu.memory_space<vmem>>, vector<1x768x1024xf32>
    %get3A_15 = vector.shape_cast %get3A_14 : vector<1x768x1024xf32> to vector<768x1024xf32>
    %convert_element_type3A_16 = arith.truncf %get3A_15 : vector<768x1024xf32> to vector<768x1024xbf16>
    %dot_general3A = arith.constant dense<0.000000e+00> : vector<176x1024xf32>
    %dot_general3A_17 = tpu.matmul %select_n3A, %convert_element_type3A_16, %dot_general3A {dimension_numbers = #tpu.dot_dimension_numbers<[1], [0], [0], [1], [0, 0, 1, 1], [], []>, transpose_lhs_hint = false} : vector<176x768xbf16>, vector<768x1024xbf16>, vector<176x1024xf32> -> vector<176x1024xf32>
    %get3A_18 = arith.constant 0 : index
    %get3A_19 = arith.constant 0 : index
    %get3A_20 = arith.constant 0 : index
    %get3A_21 = vector.load %arg4[%get3A_18, %get3A_19, %get3A_20] : memref<1x768x1024xf32, #tpu.memory_space<vmem>>, vector<1x768x1024xf32>
    %get3A_22 = vector.shape_cast %get3A_21 : vector<1x768x1024xf32> to vector<768x1024xf32>
    %convert_element_type3A_23 = arith.truncf %get3A_22 : vector<768x1024xf32> to vector<768x1024xbf16>
    %dot_general3A_24 = arith.constant dense<0.000000e+00> : vector<176x1024xf32>
    %dot_general3A_25 = tpu.matmul %select_n3A, %convert_element_type3A_23, %dot_general3A_24 {dimension_numbers = #tpu.dot_dimension_numbers<[1], [0], [0], [1], [0, 0, 1, 1], [], []>, transpose_lhs_hint = false} : vector<176x768xbf16>, vector<768x1024xbf16>, vector<176x1024xf32> -> vector<176x1024xf32>
    %logistic3A = arith.negf %dot_general3A_17 : vector<176x1024xf32>
    %logistic3A_26 = math.exp %logistic3A : vector<176x1024xf32>
    %logistic3A_27 = arith.constant 1.000000e+00 : f32
    %logistic3A_28 = vector.broadcast %logistic3A_27 : f32 to vector<176x1024xf32>
    %logistic3A_29 = arith.addf %logistic3A_28, %logistic3A_26 : vector<176x1024xf32>
    %logistic3A_30 = arith.divf %logistic3A_28, %logistic3A_29 : vector<176x1024xf32>
    %mul3A = arith.mulf %dot_general3A_17, %logistic3A_30 : vector<176x1024xf32>
    %mul3A_31 = arith.mulf %mul3A, %dot_general3A_25 : vector<176x1024xf32>
    %convert_element_type3A_32 = arith.truncf %mul3A_31 : vector<176x1024xf32> to vector<176x1024xbf16>
    %get3A_33 = arith.constant 0 : index
    %get3A_34 = arith.constant 0 : index
    %get3A_35 = arith.constant 0 : index
    %get3A_36 = vector.load %arg5[%get3A_33, %get3A_34, %get3A_35] : memref<1x1024x768xf32, #tpu.memory_space<vmem>>, vector<1x1024x768xf32>
    %get3A_37 = vector.shape_cast %get3A_36 : vector<1x1024x768xf32> to vector<1024x768xf32>
    %convert_element_type3A_38 = arith.truncf %get3A_37 : vector<1024x768xf32> to vector<1024x768xbf16>
    %dot_general3A_39 = arith.constant dense<0.000000e+00> : vector<176x768xf32>
    %dot_general3A_40 = tpu.matmul %convert_element_type3A_32, %convert_element_type3A_38, %dot_general3A_39 {dimension_numbers = #tpu.dot_dimension_numbers<[1], [0], [0], [1], [0, 0, 1, 1], [], []>, transpose_lhs_hint = false} : vector<176x1024xbf16>, vector<1024x768xbf16>, vector<176x768xf32> -> vector<176x768xf32>
    %eq3A = arith.constant 0 : i32
    %eq3A_41 = arith.cmpi eq, %arg1, %eq3A : i32
    %convert_element_type3A_42 = arith.extui %eq3A_41 : i1 to i32
    %cond3A = arith.constant 0 : i32
    %cond3A_43 = arith.cmpi ne, %convert_element_type3A_42, %cond3A : i32
    scf.if %cond3A_43 {
      %swap3A = arith.constant 0 : index
      %swap3A_53 = arith.constant 0 : index
      %swap3A_54 = vector.load %arg7[%swap3A, %swap3A_53] : memref<176x768xf32, #tpu.memory_space<vmem>>, vector<176x768xf32>
      tpu.vector_store %arg7[%swap3A, %swap3A_53], %dot_general3A_40 {strides = array<i32>} : memref<176x768xf32, #tpu.memory_space<vmem>>, vector<176x768xf32>,
    } else {
    }
    %gt3A = arith.constant 0 : i32
    %gt3A_44 = arith.cmpi sgt, %arg1, %gt3A : i32
    %convert_element_type3A_45 = arith.extui %gt3A_44 : i1 to i32
    %cond3A_46 = arith.constant 0 : i32
    %cond3A_47 = arith.cmpi ne, %convert_element_type3A_45, %cond3A_46 : i32
    scf.if %cond3A_47 {
      %get3A_53 = arith.constant 0 : index
      %get3A_54 = arith.constant 0 : index
      %get3A_55 = vector.load %arg7[%get3A_53, %get3A_54] : memref<176x768xf32, #tpu.memory_space<vmem>>, vector<176x768xf32>
      %add3A = arith.addf %get3A_55, %dot_general3A_40 : vector<176x768xf32>
      %swap3A = arith.constant 0 : index
      %swap3A_56 = arith.constant 0 : index
      %swap3A_57 = vector.load %arg7[%swap3A, %swap3A_56] : memref<176x768xf32, #tpu.memory_space<vmem>>, vector<176x768xf32>
      tpu.vector_store %arg7[%swap3A, %swap3A_56], %add3A {strides = array<i32>} : memref<176x768xf32, #tpu.memory_space<vmem>>, vector<176x768xf32>,
    } else {
    }
    %eq3A_48 = arith.constant 1 : i32
    %eq3A_49 = arith.cmpi eq, %arg1, %eq3A_48 : i32
    %convert_element_type3A_50 = arith.extui %eq3A_49 : i1 to i32
    %cond3A_51 = arith.constant 0 : i32
    %cond3A_52 = arith.cmpi ne, %convert_element_type3A_50, %cond3A_51 : i32
    scf.if %cond3A_52 {
      %get3A_53 = arith.constant 0 : index
      %get3A_54 = arith.constant 0 : index
      %get3A_55 = vector.load %arg7[%get3A_53, %get3A_54] : memref<176x768xf32, #tpu.memory_space<vmem>>, vector<176x768xf32>
      %convert_element_type3A_56 = arith.truncf %get3A_55 : vector<176x768xf32> to vector<176x768xbf16>
      %slice3A = vector.extract_strided_slice %convert_element_type3A_56 {offsets = [0, 0], sizes = [176, 384], strides = [1, 1]} : vector<176x768xbf16> to vector<176x384xbf16>
      %bitcast_convert_type3A_57 = tpu.bitcast %slice3A : vector<176x384xbf16> -> vector<176x384xi16>
      %convert_element_type3A_58 = arith.extui %bitcast_convert_type3A_57 : vector<176x384xi16> to vector<176x384xi32>
      %slice3A_59 = vector.extract_strided_slice %convert_element_type3A_56 {offsets = [0, 384], sizes = [176, 384], strides = [1, 1]} : vector<176x768xbf16> to vector<176x384xbf16>
      %bitcast_convert_type3A_60 = tpu.bitcast %slice3A_59 : vector<176x384xbf16> -> vector<176x384xi16>
      %convert_element_type3A_61 = arith.extui %bitcast_convert_type3A_60 : vector<176x384xi16> to vector<176x384xi32>
      %shift_left3A = arith.constant 16 : i32
      %shift_left3A_62 = vector.broadcast %shift_left3A : i32 to vector<176x384xi32>
      %shift_left3A_63 = arith.shli %convert_element_type3A_61, %shift_left3A_62 : vector<176x384xi32>
      %or3A = arith.ori %convert_element_type3A_58, %shift_left3A_63 : vector<176x384xi32>
      %bitcast_convert_type3A_64 = tpu.bitcast %or3A : vector<176x384xi32> -> vector<176x384xi32>
      %swap3A = arith.constant 0 : index
      %swap3A_65 = arith.constant 0 : index
      %swap3A_66 = vector.load %arg6[%swap3A, %swap3A_65] : memref<176x384xi32, #tpu.memory_space<vmem>>, vector<176x384xi32>
      tpu.vector_store %arg6[%swap3A, %swap3A_65], %bitcast_convert_type3A_64 {strides = array<i32>} : memref<176x384xi32, #tpu.memory_space<vmem>>, vector<176x384xi32>,
    } else {
    }
    return
  }
  func.func @transform_0(%arg0: i32, %arg1: i32) -> (i32, i32) {
    %c0_i32 = arith.constant 0 : i32
    %c0_i32_0 = arith.constant 0 : i32
    return %arg0, %c0_i32 : i32, i32
  }
  func.func @transform_1(%arg0: i32, %arg1: i32) -> (i32, i32, i32) {
    %c0_i32 = arith.constant 0 : i32
    %c0_i32_0 = arith.constant 0 : i32
    return %arg0, %c0_i32, %arg1 : i32, i32, i32
  }
  func.func @transform_2(%arg0: i32, %arg1: i32) -> (i32, i32, i32) {
    %c0_i32 = arith.constant 0 : i32
    %c0_i32_0 = arith.constant 0 : i32
    return %arg0, %c0_i32, %arg1 : i32, i32, i32
  }
  func.func @transform_3(%arg0: i32, %arg1: i32) -> (i32, i32, i32) {
    %c0_i32 = arith.constant 0 : i32
    %c0_i32_0 = arith.constant 0 : i32
    return %arg0, %arg1, %c0_i32 : i32, i32, i32
  }
  func.func @transform_4(%arg0: i32, %arg1: i32) -> (i32, i32) {
    %c0_i32 = arith.constant 0 : i32
    %c0_i32_0 = arith.constant 0 : i32
    return %arg0, %c0_i32 : i32, i32
  }
}

module attributes {stable_mosaic.version = 14 : i64} {
  func.func @_shared_body(%arg0: i32, %arg1: memref<512x384xi32, #tpu.memory_space<vmem>>, %arg2: memref<768x2048xf32, #tpu.memory_space<vmem>>, %arg3: memref<768x2048xf32, #tpu.memory_space<vmem>>, %arg4: memref<2048x768xf32, #tpu.memory_space<vmem>>, %arg5: memref<512x384xi32, #tpu.memory_space<vmem>>, %arg6: memref<1x1xf32, #tpu.memory_space<smem>>, %arg7: memref<512x768xf32, #tpu.memory_space<vmem>>) attributes {dimension_semantics = [#tpu.dimension_semantics<arbitrary>], iteration_bounds = array<i64: 4>, scalar_prefetch = 0 : i64, scratch_operands = 0 : i64, tpu.core_type = #tpu.core_type<tc>, window_params = [{transform_indices = @transform_0, window_bounds = array<i64: 512, 384>}, {pipeline_mode = #tpu.pipeline_mode<synchronous>, transform_indices = @transform_1, window_bounds = array<i64: 768, 2048>}, {pipeline_mode = #tpu.pipeline_mode<synchronous>, transform_indices = @transform_2, window_bounds = array<i64: 768, 2048>}, {pipeline_mode = #tpu.pipeline_mode<synchronous>, transform_indices = @transform_3, window_bounds = array<i64: 2048, 768>}, {transform_indices = @transform_4, window_bounds = array<i64: 512, 384>}, {transform_indices = @transform_5, window_bounds = array<i64: 1, 1>}, {transform_indices = @transform_6, window_bounds = array<i64: 512, 768>}]} {
    %get3A = arith.constant 0 : index
    %get3A_0 = arith.constant 0 : index
    %get3A_1 = vector.load %arg1[%get3A, %get3A_0] : memref<512x384xi32, #tpu.memory_space<vmem>>, vector<512x384xi32>
    %bitcast_convert_type3A = tpu.bitcast %get3A_1 : vector<512x384xi32> -> vector<512x384xi32>
    %and3A = arith.constant 65535 : i32
    %and3A_2 = vector.broadcast %and3A : i32 to vector<512x384xi32>
    %and3A_3 = arith.andi %bitcast_convert_type3A, %and3A_2 : vector<512x384xi32>
    %convert_element_type3A = arith.trunci %and3A_3 : vector<512x384xi32> to vector<512x384xi16>
    %bitcast_convert_type3A_4 = tpu.bitcast %convert_element_type3A : vector<512x384xi16> -> vector<512x384xbf16>
    %shift_right_logical3A = arith.constant 16 : i32
    %shift_right_logical3A_5 = vector.broadcast %shift_right_logical3A : i32 to vector<512x384xi32>
    %shift_right_logical3A_6 = arith.shrui %bitcast_convert_type3A, %shift_right_logical3A_5 : vector<512x384xi32>
    %convert_element_type3A_7 = arith.trunci %shift_right_logical3A_6 : vector<512x384xi32> to vector<512x384xi16>
    %bitcast_convert_type3A_8 = tpu.bitcast %convert_element_type3A_7 : vector<512x384xi16> -> vector<512x384xbf16>
    %concatenate3A = tpu.concatenate %bitcast_convert_type3A_4, %bitcast_convert_type3A_8 in 1 : vector<512x384xbf16>, vector<512x384xbf16> -> vector<512x768xbf16>
    %get3A_9 = arith.constant 0 : index
    %get3A_10 = arith.constant 0 : index
    %get3A_11 = vector.load %arg2[%get3A_9, %get3A_10] : memref<768x2048xf32, #tpu.memory_space<vmem>>, vector<768x2048xf32>
    %convert_element_type3A_12 = arith.truncf %get3A_11 : vector<768x2048xf32> to vector<768x2048xbf16>
    %dot_general3A = arith.constant dense<0.000000e+00> : vector<512x2048xf32>
    %dot_general3A_13 = tpu.matmul %concatenate3A, %convert_element_type3A_12, %dot_general3A {dimension_numbers = #tpu.dot_dimension_numbers<[1], [0], [0], [1], [0, 0, 1, 1], [], []>, transpose_lhs_hint = false} : vector<512x768xbf16>, vector<768x2048xbf16>, vector<512x2048xf32> -> vector<512x2048xf32>
    %get3A_14 = arith.constant 0 : index
    %get3A_15 = arith.constant 0 : index
    %get3A_16 = vector.load %arg3[%get3A_14, %get3A_15] : memref<768x2048xf32, #tpu.memory_space<vmem>>, vector<768x2048xf32>
    %convert_element_type3A_17 = arith.truncf %get3A_16 : vector<768x2048xf32> to vector<768x2048xbf16>
    %dot_general3A_18 = arith.constant dense<0.000000e+00> : vector<512x2048xf32>
    %dot_general3A_19 = tpu.matmul %concatenate3A, %convert_element_type3A_17, %dot_general3A_18 {dimension_numbers = #tpu.dot_dimension_numbers<[1], [0], [0], [1], [0, 0, 1, 1], [], []>, transpose_lhs_hint = false} : vector<512x768xbf16>, vector<768x2048xbf16>, vector<512x2048xf32> -> vector<512x2048xf32>
    %logistic3A = arith.negf %dot_general3A_13 : vector<512x2048xf32>
    %logistic3A_20 = math.exp %logistic3A : vector<512x2048xf32>
    %logistic3A_21 = arith.constant 1.000000e+00 : f32
    %logistic3A_22 = vector.broadcast %logistic3A_21 : f32 to vector<512x2048xf32>
    %logistic3A_23 = arith.addf %logistic3A_22, %logistic3A_20 : vector<512x2048xf32>
    %logistic3A_24 = arith.divf %logistic3A_22, %logistic3A_23 : vector<512x2048xf32>
    %mul3A = arith.mulf %dot_general3A_13, %logistic3A_24 : vector<512x2048xf32>
    %mul3A_25 = arith.mulf %mul3A, %dot_general3A_19 : vector<512x2048xf32>
    %convert_element_type3A_26 = arith.truncf %mul3A_25 : vector<512x2048xf32> to vector<512x2048xbf16>
    %get3A_27 = arith.constant 0 : index
    %get3A_28 = arith.constant 0 : index
    %get3A_29 = vector.load %arg4[%get3A_27, %get3A_28] : memref<2048x768xf32, #tpu.memory_space<vmem>>, vector<2048x768xf32>
    %convert_element_type3A_30 = arith.truncf %get3A_29 : vector<2048x768xf32> to vector<2048x768xbf16>
    %dot_general3A_31 = arith.constant dense<0.000000e+00> : vector<512x768xf32>
    %dot_general3A_32 = tpu.matmul %convert_element_type3A_26, %convert_element_type3A_30, %dot_general3A_31 {dimension_numbers = #tpu.dot_dimension_numbers<[1], [0], [0], [1], [0, 0, 1, 1], [], []>, transpose_lhs_hint = false} : vector<512x2048xbf16>, vector<2048x768xbf16>, vector<512x768xf32> -> vector<512x768xf32>
    %get3A_33 = arith.constant 0 : index
    %get3A_34 = arith.constant 0 : index
    %get3A_35 = vector.load %arg5[%get3A_33, %get3A_34] : memref<512x384xi32, #tpu.memory_space<vmem>>, vector<512x384xi32>
    %bitcast_convert_type3A_36 = tpu.bitcast %get3A_35 : vector<512x384xi32> -> vector<512x384xi32>
    %and3A_37 = arith.constant 65535 : i32
    %and3A_38 = vector.broadcast %and3A_37 : i32 to vector<512x384xi32>
    %and3A_39 = arith.andi %bitcast_convert_type3A_36, %and3A_38 : vector<512x384xi32>
    %convert_element_type3A_40 = arith.trunci %and3A_39 : vector<512x384xi32> to vector<512x384xi16>
    %bitcast_convert_type3A_41 = tpu.bitcast %convert_element_type3A_40 : vector<512x384xi16> -> vector<512x384xbf16>
    %shift_right_logical3A_42 = arith.constant 16 : i32
    %shift_right_logical3A_43 = vector.broadcast %shift_right_logical3A_42 : i32 to vector<512x384xi32>
    %shift_right_logical3A_44 = arith.shrui %bitcast_convert_type3A_36, %shift_right_logical3A_43 : vector<512x384xi32>
    %convert_element_type3A_45 = arith.trunci %shift_right_logical3A_44 : vector<512x384xi32> to vector<512x384xi16>
    %bitcast_convert_type3A_46 = tpu.bitcast %convert_element_type3A_45 : vector<512x384xi16> -> vector<512x384xbf16>
    %concatenate3A_47 = tpu.concatenate %bitcast_convert_type3A_41, %bitcast_convert_type3A_46 in 1 : vector<512x384xbf16>, vector<512x384xbf16> -> vector<512x768xbf16>
    %convert_element_type3A_48 = arith.extf %concatenate3A_47 : vector<512x768xbf16> to vector<512x768xf32>
    %get3A_49 = arith.constant 0 : index
    %get3A_50 = arith.constant 0 : index
    %get3A_51 = memref.load %arg6[%get3A_49, %get3A_50] : memref<1x1xf32, #tpu.memory_space<smem>>
    %mul3A_52 = vector.broadcast %get3A_51 : f32 to vector<512x768xf32>
    %mul3A_53 = arith.mulf %mul3A_52, %dot_general3A_32 : vector<512x768xf32>
    %add3A = arith.addf %convert_element_type3A_48, %mul3A_53 : vector<512x768xf32>
    %swap3A = arith.constant 0 : index
    %swap3A_54 = arith.constant 0 : index
    %swap3A_55 = vector.load %arg7[%swap3A, %swap3A_54] : memref<512x768xf32, #tpu.memory_space<vmem>>, vector<512x768xf32>
    tpu.vector_store %arg7[%swap3A, %swap3A_54], %add3A {strides = array<i32>} : memref<512x768xf32, #tpu.memory_space<vmem>>, vector<512x768xf32>,
    return
  }
  func.func @transform_0(%arg0: i32) -> (i32, i32) {
    %c0_i32 = arith.constant 0 : i32
    %c0_i32_0 = arith.constant 0 : i32
    return %arg0, %c0_i32 : i32, i32
  }
  func.func @transform_1(%arg0: i32) -> (i32, i32) {
    %c0_i32 = arith.constant 0 : i32
    %c0_i32_0 = arith.constant 0 : i32
    %c0_i32_1 = arith.constant 0 : i32
    return %c0_i32, %c0_i32_0 : i32, i32
  }
  func.func @transform_2(%arg0: i32) -> (i32, i32) {
    %c0_i32 = arith.constant 0 : i32
    %c0_i32_0 = arith.constant 0 : i32
    %c0_i32_1 = arith.constant 0 : i32
    return %c0_i32, %c0_i32_0 : i32, i32
  }
  func.func @transform_3(%arg0: i32) -> (i32, i32) {
    %c0_i32 = arith.constant 0 : i32
    %c0_i32_0 = arith.constant 0 : i32
    %c0_i32_1 = arith.constant 0 : i32
    return %c0_i32, %c0_i32_0 : i32, i32
  }
  func.func @transform_4(%arg0: i32) -> (i32, i32) {
    %c0_i32 = arith.constant 0 : i32
    %c0_i32_0 = arith.constant 0 : i32
    return %arg0, %c0_i32 : i32, i32
  }
  func.func @transform_5(%arg0: i32) -> (i32, i32) {
    %c0_i32 = arith.constant 0 : i32
    %c0_i32_0 = arith.constant 0 : i32
    %c0_i32_1 = arith.constant 0 : i32
    return %c0_i32, %c0_i32_0 : i32, i32
  }
  func.func @transform_6(%arg0: i32) -> (i32, i32) {
    %c0_i32 = arith.constant 0 : i32
    %c0_i32_0 = arith.constant 0 : i32
    return %arg0, %c0_i32 : i32, i32
  }
}

</mosaic_0001>

<sc_bundles>
// kernel: kernel.10.cloned.1.call-start
scs
__scs_entry_jumppad:
0x0: {  	(pc) =	sbr.rel $0x88, $3  }
0x1: {  	(tag) =	ssettag $0x0;
	lr =	simm.s32 $0x1  }
0x2: {  	[smem:$0x3F96] =	sst lr;
	_ =	strace $0xD0000000  }
0x3: {  	_ = 	snop  }
0x4: {  	_ = 	snop  }
0x5: {  	_ = 	snop  }
0x6: {  	_ = 	snop  }
0x7: {  	_ = 	snop  }
__scs_overlays_trampoline_lowered:
0x8: {  	[smem:$0x3FA5] =	sst s0  }
0x9: {  	[smem:$0x3FA6] =	sst s1  }
0xa: {  	[smem:$0x3FA7] =	sst s2  }
0xb: {  	[smem:$0x3FA8] =	sst s3  }
0xc: {  	[smem:$0x3FA9] =	sst s4  }
0xd: {  	[smem:$0x3FAA] =	sst s5  }
0xe: {  	[smem:$0x3FAB] =	sst s6  }
0xf: {  	[smem:$0x3FAC] =	sst s7  }
0x10: {  	[smem:$0x3FAD] =	sst s8  }
0x11: {  	[smem:$0x3FAE] =	sst s9;
	s0 =	simm.s32 @!p0 $0x0  }
0x12: {  	s1 =	sld [smem:$0x3F94];
	s0 =	simm.s32 @p0 $0x1  }
0x13: {  	[smem:$0x3FAF] =	sst s0;
	s0 =	simm.s32 @!p1 $0x0  }
0x14: {  	s2 =	sld [smem:$0x3F93];
	s0 =	simm.s32 @p1 $0x1  }
0x15: {  	[smem:$0x3FB0] =	sst s0;
	s0 =	simm.s32 @!p2 $0x0  }
0x16: {  	s3 =	sld [smem:$0x3FDB];
	s0 =	simm.s32 @p2 $0x1  }
0x17: {  	s4 =	simm.s32 $0x1BF5;
	[smem:$0x3FB2] =	sst s0  }
0x18: {  	s0 =	sld [smem:$0x3F95];
	_ =	swait.ge [sflag:s4], $0x0  }
0x19: {  	s7 =	sld [smem:$0x3F96]  }
0x1a: {  	s8 =	sadd.s32 $0xFFFFE003, lr  }
0x1b: {  	s9 =	sadd.s32 $0xFFFFFEF7, lr;
	s5 =	simm.s32 $0xFFFFFFFF;
	p2 =	slt.u32 s8, $0xFFFFF086  }
0x1c: {  	p1 =	slt.u32 s9, $0xF7A;
	s5 =	simm.s32 @!p2 $0x0  }
0x1d: {  	s5 =	simm.s32 @p1 $0x1;
	p0 =	seq.s32 s7, s2  }
0x1e: {  	s7 =	smul.u32 @!p0 $0xF7A, s2;
	p2 =	seq.s32 @!p0 s5, $0x0  }
0x1f: {  	s9 =	smul.u32 $0xF7A, s1;
	s8 =	simm.s32 @!p0 $0x1BF5;
	p2 =	por !p2, p0  }
0x20: {  	[sflag:s8] =	ssyncset.s32 @!p0 $0xFFFFF086;
	s6 =	sadd.s32 @!p0 s3, s7;
	s7 =	simm.s32 @!p0 $0x108  }
0x21: {  	s3 =	sadd.s32 s3, s9;
	s6 =	sadd.s32 @!p0 $0x88, s6;
	s7 =	simm.s32 @p2 $0x1082  }
0x22: {  	[simem:s7], [sflag:s8] =	dma.local @!p0 [hbm:s6], $0xF7A  }
0x23: {  	s9 =	sor.u32 $0xD0000000, s2;
	s6 =	simm.s32 $0x108;
	_ =	swait.ge @!p0 [sflag:s8], $0x0  }
0x24: {  	s3 =	sadd.s32 $0x88, s3;
	s6 =	simm.s32 @!p1 $0x1082;
	[sflag:s4] =	ssyncset.s32 $0xFFFFF086  }
0x25: {  	[simem:s6], [sflag:s4] =	dma.local [hbm:s3], $0xF7A  }
0x26: {  	[smem:$0x3F96] =	sst s1;
	(tag) =	ssettag s2;
	_ =	strace s9  }
0x27: {  	s1 =	sld [smem:$0x3FA6]  }
0x28: {  	s2 =	sld [smem:$0x3FA7]  }
0x29: {  	s4 =	sld [smem:$0x3FA9]  }
0x2a: {  	p0 =	seq.s32 s5, $0x0;
	s5 =	sld [smem:$0x3FAA]  }
0x2b: {  	s6 =	sld [smem:$0x3FAB]  }
0x2c: {  	s7 =	sld [smem:$0x3FAC]  }
0x2d: {  	s3 =	simm.s32 $0x108;
	s8 =	sld [smem:$0x3FAD]  }
0x2e: {  	s3 =	simm.s32 @!p0 $0x1082;
	s9 =	sld [smem:$0x3FAE]  }
0x2f: {  	lr =	sadd.s32 s0, s3;
	s0 =	sld [smem:$0x3FA5]  }
0x30: {  	s3 =	sld [smem:$0x3FA8]  }
0x31: {  	[smem:$0x3FB1] =	sst s10  }
0x32: {  	s10 =	sld [smem:$0x3FAF];
	_ =	sdelay $0x3  }
0x33: {  	p0 =	seq.s32 s10, $0x1;
	s10 =	sld [smem:$0x3FB1];
	_ =	sdelay $0x3  }
0x34: {  	[smem:$0x3FB1] =	sst s10  }
0x35: {  	s10 =	sld [smem:$0x3FB0];
	_ =	sdelay $0x3  }
0x36: {  	p1 =	seq.s32 s10, $0x1;
	s10 =	sld [smem:$0x3FB1];
	_ =	sdelay $0x3  }
0x37: {  	[smem:$0x3FB1] =	sst s10  }
0x38: {  	s10 =	sld [smem:$0x3FB2]  }
0x39: {  	_ = 	snop;
	(pc) =	sbr.ind lr, $3  }
0x3a: {  	_ = 	snop  }
0x3b: {  	_ = 	snop  }
0x3c: {  	p2 =	seq.s32 s10, $0x1;
	s10 =	sld [smem:$0x3FB1]  }
0x3d: {  	_ =	shalt  }
0x3e: {  	_ =	shalt  }
0x3f: {  	_ =	shalt  }
0x40: {  	_ =	shalt  }
0x41: {  	_ =	shalt  }
0x42: {  	_ =	shalt  }
0x43: {  	_ =	shalt  }
0x44: {  	_ =	shalt  }
0x45: {  	_ =	shalt  }
0x46: {  	_ =	shalt  }
0x47: {  	_ =	shalt  }
0x48: {  	_ =	shalt  }
0x49: {  	_ =	shalt  }
0x4a: {  	_ =	shalt  }
0x4b: {  	_ =	shalt  }
0x4c: {  	_ =	shalt  }
0x4d: {  	_ =	shalt  }
0x4e: {  	_ =	shalt  }
0x4f: {  	_ =	shalt  }
0x50: {  	_ =	shalt  }
0x51: {  	_ =	shalt  }
0x52: {  	_ =	shalt  }
0x53: {  	_ =	shalt  }
0x54: {  	_ =	shalt  }
0x55: {  	_ =	shalt  }
0x56: {  	_ =	shalt  }
0x57: {  	_ =	shalt  }
0x58: {  	_ =	shalt  }
0x59: {  	_ =	shalt  }
0x5a: {  	_ =	shalt  }
0x5b: {  	_ =	shalt  }
0x5c: {  	_ =	shalt  }
0x5d: {  	_ =	shalt  }
0x5e: {  	_ =	shalt  }
0x5f: {  	_ =	shalt  }
0x60: {  	_ =	shalt  }
0x61: {  	_ =	shalt  }
0x62: {  	_ =	shalt  }
0x63: {  	_ =	shalt  }
0x64: {  	_ =	shalt  }
0x65: {  	_ =	shalt  }
0x66: {  	_ =	shalt  }
0x67: {  	_ =	shalt  }
0x68: {  	_ =	shalt  }
0x69: {  	_ =	shalt  }
0x6a: {  	_ =	shalt  }
0x6b: {  	_ =	shalt  }
0x6c: {  	_ =	shalt  }
0x6d: {  	_ =	shalt  }
0x6e: {  	_ =	shalt  }
0x6f: {  	_ =	shalt  }
0x70: {  	_ =	shalt  }
0x71: {  	_ =	shalt  }
0x72: {  	_ =	shalt  }
0x73: {  	_ =	shalt  }
0x74: {  	_ =	shalt  }
0x75: {  	_ =	shalt  }
0x76: {  	_ =	shalt  }
0x77: {  	_ =	shalt  }
0x78: {  	_ =	shalt  }
0x79: {  	_ =	shalt  }
0x7a: {  	_ =	shalt  }
0x7b: {  	_ =	shalt  }
0x7c: {  	_ =	shalt  }
0x7d: {  	_ =	shalt  }
0x7e: {  	_ =	shalt  }
0x7f: {  	_ =	shalt  }
0x80: {  	_ =	shalt  }
0x81: {  	_ =	shalt  }
0x82: {  	_ =	shalt  }
0x83: {  	_ =	shalt  }
0x84: {  	_ =	shalt  }
0x85: {  	_ =	shalt  }
0x86: {  	_ =	shalt  }
0x87: {  	_ =	shalt  }
.Lfunc_end0:
.L_simem_size_0:
called_computation.1_lowered:
.L_overlay_start_0:
0x88: {  	s2 =	sld [smem:$0x3FD9]  }
0x89: {  	s3 =	sld [smem:$0x3FFE];
	_ =	sdelay $0x1  }
0x8a: {  	s1 =	srdreg.scid  }
0x8b: {  	s0 =	sand.u32 $0x1, s1  }
0x8c: {  	s17 =	sshll.u32 s0, $0xA;
	s2 =	sadd.s32 s3, s2  }
0x8d: {  	s2 =	sadd.s32 s2, s17  }
0x8e: {  	[smem:$0x3FBD] =	sst s2  }
0x8f: {  	_ = 	snop  }
0x90: {  	s2 =	sld [smem:$0x3FD0];
	(tm) =	ssettm $0x1  }
0x91: {  	s18 =	sld [smem:$0x3FFB];
	_ =	sdelay $0x3  }
0x92: {  	_ =	strace s18  }
0x93: {  	s3 =	sld [smem:$0x3FFC];
	_ =	sdelay $0x3  }
0x94: {  	_ =	strace s3  }
0x95: {  	s3 =	sld [smem:$0x3FFD];
	_ =	sdelay $0x3  }
0x96: {  	_ =	strace s3  }
0x97: {  	_ =	strace $0x8FFFFFFF  }
0x98: {  	s19 =	sld [smem:$0x3FDB];
	_ =	sdelay $0x1  }
0x99: {  	s4 =	simm.s32 $_scs_section_size  }
0x9a: {  	s5 =	simm.s32 $_size__tile_overlayer_lowered;
	s6 =	simm.s32 $_tile_overlayer_lowered  }
0x9b: {  	s22 =	simm.s32 $0x1BFF;
	s21 =	sshll.u32 s6, $0x1;
	s3 =	sadd.s32 s4, s19  }
0x9c: {  	s7 =	simm.s32 $0x0;
	s20 =	sshll.u32 s5, $0x1;
	s5 =	sadd.s32 s21, s3  }
0x9d: {  	[timem:s7], [sflag:s22] =	dma.local [hbm:s5], s20  }
0x9e: {  	_ =	swait.ge [sflag:s22], s20  }
0x9f: {  	s4 =	ssub.s32 $0x0, s20;
	[sflag:s22] =	ssyncset.done $0x0  }
0xa0: {  	[sflag:s22] =	ssyncadd.s32 s4;
	_ =	sdelay $0x1  }
0xa1: {  	s23 =	simm.s32 $0x1B8B  }
0xa2: {  	_ =	swait.ge [sflag:s23], $0x1  }
0xa3: {  	[sflag:s23] =	ssyncset.done $0x0  }
0xa4: {  	s25 =	simm.s32 $0x1B8E;
	s24 =	sld [smem:$0x3FFE];
	[sflag:s23] =	ssyncadd.s32 $0xFFFFFFFF  }
0xa5: {  	s26 =	simm.s32 $execute0_lowered;
	[smem:$0x3FD2] =	sst s25  }
0xa6: {  	s5 =	sshll.u32 s26, $0x1;
	_ =	strace $0x80000049;
	[dreg:$0x1] =	wrdreg $0xFFFFFFFF  }
0xa7: {  	s28 =	simm.s32 $_size_execute0_lowered;
	s3 =	sadd.s32 s3, s5;
	[dreg:$0x0] =	wrdreg $0x0  }
0xa8: {  	s5 =	sshll.u32 s28, $0x1;
	[dreg:$0x2] =	wrdreg s3  }
0xa9: {  	[dreg:$0x3] =	wrdreg s5  }
0xaa: {  	[dreg:$0x4] =	wrdreg $0xC0  }
0xab: {  	_ =	task [dreg:s7], $0x5FFFF  }
0xac: {  	[dreg:$0x1] =	wrdreg $0xFFFFFFFF  }
0xad: {  	[dreg:$0x0] =	wrdreg $0x60  }
0xae: {  	[dreg:$0x2] =	wrdreg s2  }
0xaf: {  	[dreg:$0x3] =	wrdreg s24  }
0xb0: {  	[dreg:$0x4] =	wrdreg $0x9  }
0xb1: {  	_ =	task.clear_ibuf [dreg:s7], $0x5FFFF;
	_ =	strace $0x90000049  }
0xb2: {  	s29 =	simm.s32 $0x9;
	_ =	strace $0x8000004B  }
0xb3: {  	_ =	swait.ge [sflag:s29], $0x1  }
0xb4: {  	[sflag:s29] =	ssyncadd.s32 $0xFFFFFFFF  }
0xb5: {  	_ =	strace $0x9000004B  }
0xb6: {  	_ =	sfence  }
0xb7: {  	s30 =	sld [smem:$0x0];
	_ =	sdelay $0x2  }
0xb8: {  	s31 =	sshll.u32 s1, $0xD;
	s1 =	sshrl.u32 s1, $0x2  }
0xb9: {  	s3 =	sand.u32 $0x4000, s31;
	s1 =	sadd.s32 s1, s30  }
0xba: {  	s0 =	sor.u32 s3, s0;
	s1 =	sshll.u32 s1, $0x11  }
0xbb: {  	s0 =	sor.u32 s1, s0  }
0xbc: {  	s0 =	sadd.s32 $0x8F2B, s0  }
0xbd: {  	[sflag:s0] =	ssyncadd.remote.s32 $0x1  }
0xbe: {  	_ =	sfence.sel $0xFFFF  }
0xbf: {  	[dreg:$0x0] =	wrdreg $0xFFFFFFFF;
	(pc) =	sbr.abs _section_cstart, $3  }
0xc0: {  	[dreg:$0x1] =	wrdreg $0xFFFFFFFF  }
0xc1: {  	_ =	task.clear_ibuf [dreg:s7], $0x2FFFF;
	_ =	strace $0x9FFFFFFF  }
0xc2: {  	(tm) =	ssettm $0x7FFFFFFF  }
0xc3: {  	_ =	shalt  }
tec
execute0_lowered:
.L_overlay_start_1:
0x0: {  	(tag) =	ssettag $0x1  }
0x1: {  	s1 =	srdreg.scid;
	s2 =	rddreg [dreg:$0x0]  }
0x2: {  	s0 =	stileid.u32;
	s5 =	rddreg [dreg:$0x1]  }
0x3: {  	s3 =	simm.s32 $0x0;
	s9 =	simm.s32 $0x80;
	s10 =	simm.s32 $0x880  }
0x4: {  	s11 =	simm.s32 $0xC80;
	s12 =	simm.s32 $0x1480;
	s13 =	simm.s32 $0x1880  }
0x5: {  	s14 =	simm.s32 $0x2080;
	s15 =	simm.s32 $0x2480;
	s16 =	simm.s32 $0x2C80  }
0x6: {  	s17 =	simm.s32 $0x3080;
	s18 =	simm.s32 $0x3880;
	s19 =	simm.s32 $0x3C80  }
0x7: {  	s20 =	simm.s32 $0x4480;
	s21 =	simm.s32 $0x4880;
	s22 =	simm.s32 $0x5080  }
0x8: {  	s23 =	simm.s32 $0x5480;
	s24 =	simm.s32 $0x5C80;
	s4 =	sand.u32 $0x1, s1  }
0x9: {  	s25 =	simm.s32 $0x1;
	s6 =	sshll.u32 s0, $0x4;
	s7 =	sshll.u32 s4, $0x3  }
0xa: {  	s1 =	rddreg [dreg:$0x2];
	s4 =	ssub.s32 $0x2, s4;
	s6 =	sor.u32 s7, s6  }
0xb: {  	[smem:$0x7FF] =	sst s3;
	s8 =	sshrl.u32 s4, $0x1;
	s7 =	smul.u32 $0x180, s6  }
0xc: {  	v2 =	vlaneseq.u32;
	_ =	strace $0x8000004A;
	s6 =	sadd.s32 s6, s5;
	s8 =	ssub.s32 s4, s8  }
0xd: {  	vm0 =	vmmov $0xffff;
	vm1 =	vmmov $0xff;
	v1 =	vshrl.u32 v2, $0x3;
	s4 =	sadd.s32 $0x18200, s6;
	s7 =	sadd.s32 s7, s5;
	s5 =	sadd.s32 $0x100, s2  }
0xe: {  	v0 =	vand.u32 $0x7, v2;
	v2 =	vor.u32 $0x8, v2;
	v1 =	vmul.u32 $0x8, v1;
	s6 =	sadd.s32 $0x18400, s7;
	s7 =	smax.u32 s8, $0x1;
	s8 =	simm.s32 $0x2  }
.LBB2_1:
0xf: {  	[tilespmem:s3], [sflag:$0x2] =	stream.linear.gather [hbm4b:s4+s3], $0x40, $0x38;
	[tilespmem:$0x6080] =	vst v63  }
0x10: {  	_ =	swait.ge [sflag:s8], $0x40  }
0x11: {  	[sflag:s8] =	ssyncset.done $0x0  }
0x12: {  	[sflag:s8] =	ssyncadd.s32 $0xFFFFFFC0  }
0x13: {  	v3 =	vld [tilespmem:$0x0];
	_ =	sdelay $0x4  }
0x14: {  	v4 =	vshrl.u32 v3, $0x3  }
0x15: {  	v4 =	vmul.u32 $0x18, v4  }
0x16: {  	v3 =	vand.u32 $0x7, v3  }
0x17: {  	v3 =	vor.u32 v3, v4  }
0x18: {  	v4 =	vperm.xlane v3, v0;
	_ =	sdelay $0x1  }
0x19: {  	v4 =	vadd.s32 v1, v4;
	_ =	sdelay $0x1  }
0x1a: {  	v3 =	vperm.xlane v3, v2;
	_ =	sdelay $0x1  }
0x1b: {  	v3 =	vadd.s32 v1, v3  }
0x1c: {  	[tilespmem:s9], [sflag:$0x1] =	stream.indirect_vreg.gather [hbm4b:s2+s3], $0x80, v4, vm0, $0xb8;
	[tilespmem:$0x6080] =	vst v63  }
0x1d: {  	_ = 	snop  }
0x1e: {  	[tilespmem:s10], [sflag:$0x1] =	stream.indirect_vreg.gather [hbm4b:s5+s3], $0x80, v4, vm1, $0xb8;
	[tilespmem:$0x6080] =	vst v63  }
0x1f: {  	_ = 	snop  }
0x20: {  	[tilespmem:s11], [sflag:$0x1] =	stream.indirect_vreg.gather [hbm4b:s2+s3], $0x80, v3, vm0, $0xb8;
	[tilespmem:$0x6080] =	vst v63  }
0x21: {  	_ = 	snop  }
0x22: {  	[tilespmem:s12], [sflag:$0x1] =	stream.indirect_vreg.gather [hbm4b:s5+s3], $0x80, v3, vm1, $0xb8;
	[tilespmem:$0x6080] =	vst v63  }
0x23: {  	v3 =	vld [tilespmem:$0x10];
	_ =	sdelay $0x4  }
0x24: {  	v61 =	vshrl.u32 v3, $0x3  }
0x25: {  	v4 =	vmul.u32 $0x18, v61  }
0x26: {  	v3 =	vand.u32 $0x7, v3  }
0x27: {  	v3 =	vor.u32 v3, v4  }
0x28: {  	v4 =	vperm.xlane v3, v0;
	_ =	sdelay $0x1  }
0x29: {  	v4 =	vadd.s32 v1, v4;
	_ =	sdelay $0x1  }
0x2a: {  	v3 =	vperm.xlane v3, v2;
	_ =	sdelay $0x1  }
0x2b: {  	v3 =	vadd.s32 v1, v3  }
0x2c: {  	[tilespmem:s13], [sflag:$0x1] =	stream.indirect_vreg.gather [hbm4b:s2+s3], $0x80, v4, vm0, $0xb8;
	[tilespmem:$0x6080] =	vst v63  }
0x2d: {  	_ = 	snop  }
0x2e: {  	[tilespmem:s14], [sflag:$0x1] =	stream.indirect_vreg.gather [hbm4b:s5+s3], $0x80, v4, vm1, $0xb8;
	[tilespmem:$0x6080] =	vst v63  }
0x2f: {  	_ = 	snop  }
0x30: {  	[tilespmem:s15], [sflag:$0x1] =	stream.indirect_vreg.gather [hbm4b:s2+s3], $0x80, v3, vm0, $0xb8;
	[tilespmem:$0x6080] =	vst v63  }
0x31: {  	_ = 	snop  }
0x32: {  	[tilespmem:s16], [sflag:$0x1] =	stream.indirect_vreg.gather [hbm4b:s5+s3], $0x80, v3, vm1, $0xb8;
	[tilespmem:$0x6080] =	vst v63  }
0x33: {  	v3 =	vld [tilespmem:$0x20];
	_ =	sdelay $0x4  }
0x34: {  	v62 =	vshrl.u32 v3, $0x3  }
0x35: {  	v4 =	vmul.u32 $0x18, v62  }
0x36: {  	v3 =	vand.u32 $0x7, v3  }
0x37: {  	v3 =	vor.u32 v3, v4  }
0x38: {  	v4 =	vperm.xlane v3, v0;
	_ =	sdelay $0x1  }
0x39: {  	v4 =	vadd.s32 v1, v4;
	_ =	sdelay $0x1  }
0x3a: {  	v3 =	vperm.xlane v3, v2;
	_ =	sdelay $0x1  }
0x3b: {  	v3 =	vadd.s32 v1, v3  }
0x3c: {  	[tilespmem:s17], [sflag:$0x1] =	stream.indirect_vreg.gather [hbm4b:s2+s3], $0x80, v4, vm0, $0xb8;
	[tilespmem:$0x6080] =	vst v63  }
0x3d: {  	_ = 	snop  }
0x3e: {  	[tilespmem:s18], [sflag:$0x1] =	stream.indirect_vreg.gather [hbm4b:s5+s3], $0x80, v4, vm1, $0xb8;
	[tilespmem:$0x6080] =	vst v63  }
0x3f: {  	_ = 	snop  }
0x40: {  	[tilespmem:s19], [sflag:$0x1] =	stream.indirect_vreg.gather [hbm4b:s2+s3], $0x80, v3, vm0, $0xb8;
	[tilespmem:$0x6080] =	vst v63  }
0x41: {  	_ = 	snop  }
0x42: {  	[tilespmem:s20], [sflag:$0x1] =	stream.indirect_vreg.gather [hbm4b:s5+s3], $0x80, v3, vm1, $0xb8;
	[tilespmem:$0x6080] =	vst v63  }
0x43: {  	v3 =	vld [tilespmem:$0x30];
	_ =	sdelay $0x4  }
0x44: {  	v63 =	vshrl.u32 v3, $0x3  }
0x45: {  	v4 =	vmul.u32 $0x18, v63  }
0x46: {  	v3 =	vand.u32 $0x7, v3  }
0x47: {  	v3 =	vor.u32 v3, v4  }
0x48: {  	v4 =	vperm.xlane v3, v0;
	_ =	sdelay $0x1  }
0x49: {  	v4 =	vadd.s32 v1, v4;
	_ =	sdelay $0x1  }
0x4a: {  	v3 =	vperm.xlane v3, v2;
	_ =	sdelay $0x1  }
0x4b: {  	v3 =	vadd.s32 v1, v3  }
0x4c: {  	[tilespmem:s21], [sflag:$0x1] =	stream.indirect_vreg.gather [hbm4b:s2+s3], $0x80, v4, vm0, $0xb8;
	[tilespmem:$0x6080] =	vst v63  }
0x4d: {  	_ = 	snop  }
0x4e: {  	[tilespmem:s22], [sflag:$0x1] =	stream.indirect_vreg.gather [hbm4b:s5+s3], $0x80, v4, vm1, $0xb8;
	[tilespmem:$0x6080] =	vst v63  }
0x4f: {  	_ = 	snop  }
0x50: {  	[tilespmem:s23], [sflag:$0x1] =	stream.indirect_vreg.gather [hbm4b:s2+s3], $0x80, v3, vm0, $0xb8;
	[tilespmem:$0x6080] =	vst v63  }
0x51: {  	_ = 	snop  }
0x52: {  	[tilespmem:s24], [sflag:$0x1] =	stream.indirect_vreg.gather [hbm4b:s5+s3], $0x80, v3, vm1, $0xb8;
	[tilespmem:$0x6080] =	vst v63  }
0x53: {  	_ =	swait.ge [sflag:s25], $0x6000  }
0x54: {  	p0 =	sne.s32 s7, $0x1;
	[sflag:s25] =	ssyncset.done $0x0  }
.Ltmp0:
0x55: {  	[sflag:s25] =	ssyncadd.s32 $0xFFFFA000;
	(pc) =	sbr.rel @p0 .LBB2_1-.Ltmp0, $4  }
0x56: {  	[hbm4b:s6+s3] =	stream.linear.scatter [tilespmem:s9], [sflag:$0x2], $0x6000, $0x38;
	[tilespmem:$0x6080] =	vst v63  }
0x57: {  	_ =	swait.ge [sflag:s8], $0x6000  }
0x58: {  	[sflag:s8] =	ssyncset.done $0x0  }
0x59: {  	s7 =	sadd.s32 $0xFFFFFFFF, s7;
	[sflag:s8] =	ssyncadd.s32 $0xFFFFA000  }
0x5a: {  	_ =	sfence.sel $0x180000  }
0x5b: {  	[bflag:$0x0] =	sbarrier.arrive $0xFFFF  }
0x5c: {  	p0 =	sne.s32 s0, $0x0;
	_ =	strace $0x9000004A  }
0x5d: {  	s0 =	sadd.s32 @!p0 $0x100000, s1;
	[bflag:$0x2] =	sbarrier.arrive $0xFFFF  }
0x5e: {  	[sflag:s0] =	ssyncadd.tile.s32 @!p0 $0x1;
	_ =	shalt  }
.Lfunc_end2:
_tile_overlayer_lowered:
.L_overlay_start_2:
0x5f: {  	(tag) =	ssettag $0x2  }
0x60: {  	s0 =	rddreg [dreg:$0x0];
	s2 =	stileid.u32  }
0x61: {  	s1 =	rddreg [dreg:$0x1];
	p0 =	sne.s32 s2, $0x0  }
0x62: {  	s3 =	rddreg [dreg:$0x2];
	[bflag:$0x3] =	sbarrier.arrive $0xFFFF;
	s2 =	simm.s32 @!p0 $0x1C02  }
0x63: {  	[timem:s3], [sflag:s2] =	dma.local @!p0 [hbm:s0], s1  }
0x64: {  	s0 =	simm.s32 @!p0 $0x2  }
0x65: {  	_ =	swait.ge @!p0 [sflag:s0], s1  }
0x66: {  	s1 =	ssub.s32 @!p0 $0x0, s1;
	[sflag:s0] =	ssyncset.done @!p0 $0x0  }
0x67: {  	[sflag:s0] =	ssyncadd.s32 @!p0 s1  }
0x68: {  	[bflag:$0x3] =	sbarrier.arrive $0xFFFF  }
0x69: {  	_ =	shalt  }

// kernel: kernel.7.cloned.1.call-start
scs
__scs_entry_jumppad:
0x0: {  	(pc) =	sbr.rel $0x88, $3  }
0x1: {  	(tag) =	ssettag $0x0;
	lr =	simm.s32 $0x1  }
0x2: {  	[smem:$0x3F96] =	sst lr;
	_ =	strace $0xD0000000  }
0x3: {  	_ = 	snop  }
0x4: {  	_ = 	snop  }
0x5: {  	_ = 	snop  }
0x6: {  	_ = 	snop  }
0x7: {  	_ = 	snop  }
__scs_overlays_trampoline_lowered:
0x8: {  	[smem:$0x3FA5] =	sst s0  }
0x9: {  	[smem:$0x3FA6] =	sst s1  }
0xa: {  	[smem:$0x3FA7] =	sst s2  }
0xb: {  	[smem:$0x3FA8] =	sst s3  }
0xc: {  	[smem:$0x3FA9] =	sst s4  }
0xd: {  	[smem:$0x3FAA] =	sst s5  }
0xe: {  	[smem:$0x3FAB] =	sst s6  }
0xf: {  	[smem:$0x3FAC] =	sst s7  }
0x10: {  	[smem:$0x3FAD] =	sst s8  }
0x11: {  	[smem:$0x3FAE] =	sst s9;
	s0 =	simm.s32 @!p0 $0x0  }
0x12: {  	s1 =	sld [smem:$0x3F94];
	s0 =	simm.s32 @p0 $0x1  }
0x13: {  	[smem:$0x3FAF] =	sst s0;
	s0 =	simm.s32 @!p1 $0x0  }
0x14: {  	s2 =	sld [smem:$0x3F93];
	s0 =	simm.s32 @p1 $0x1  }
0x15: {  	[smem:$0x3FB0] =	sst s0;
	s0 =	simm.s32 @!p2 $0x0  }
0x16: {  	s3 =	sld [smem:$0x3FDB];
	s0 =	simm.s32 @p2 $0x1  }
0x17: {  	s4 =	simm.s32 $0x1BF5;
	[smem:$0x3FB2] =	sst s0  }
0x18: {  	s0 =	sld [smem:$0x3F95];
	_ =	swait.ge [sflag:s4], $0x0  }
0x19: {  	s7 =	sld [smem:$0x3F96]  }
0x1a: {  	s8 =	sadd.s32 $0xFFFFE003, lr  }
0x1b: {  	s9 =	sadd.s32 $0xFFFFFEF7, lr;
	s5 =	simm.s32 $0xFFFFFFFF;
	p2 =	slt.u32 s8, $0xFFFFF086  }
0x1c: {  	p1 =	slt.u32 s9, $0xF7A;
	s5 =	simm.s32 @!p2 $0x0  }
0x1d: {  	s5 =	simm.s32 @p1 $0x1;
	p0 =	seq.s32 s7, s2  }
0x1e: {  	s7 =	smul.u32 @!p0 $0xF7A, s2;
	p2 =	seq.s32 @!p0 s5, $0x0  }
0x1f: {  	s9 =	smul.u32 $0xF7A, s1;
	s8 =	simm.s32 @!p0 $0x1BF5;
	p2 =	por !p2, p0  }
0x20: {  	[sflag:s8] =	ssyncset.s32 @!p0 $0xFFFFF086;
	s6 =	sadd.s32 @!p0 s3, s7;
	s7 =	simm.s32 @!p0 $0x108  }
0x21: {  	s3 =	sadd.s32 s3, s9;
	s6 =	sadd.s32 @!p0 $0x88, s6;
	s7 =	simm.s32 @p2 $0x1082  }
0x22: {  	[simem:s7], [sflag:s8] =	dma.local @!p0 [hbm:s6], $0xF7A  }
0x23: {  	s9 =	sor.u32 $0xD0000000, s2;
	s6 =	simm.s32 $0x108;
	_ =	swait.ge @!p0 [sflag:s8], $0x0  }
0x24: {  	s3 =	sadd.s32 $0x88, s3;
	s6 =	simm.s32 @!p1 $0x1082;
	[sflag:s4] =	ssyncset.s32 $0xFFFFF086  }
0x25: {  	[simem:s6], [sflag:s4] =	dma.local [hbm:s3], $0xF7A  }
0x26: {  	[smem:$0x3F96] =	sst s1;
	(tag) =	ssettag s2;
	_ =	strace s9  }
0x27: {  	s1 =	sld [smem:$0x3FA6]  }
0x28: {  	s2 =	sld [smem:$0x3FA7]  }
0x29: {  	s4 =	sld [smem:$0x3FA9]  }
0x2a: {  	p0 =	seq.s32 s5, $0x0;
	s5 =	sld [smem:$0x3FAA]  }
0x2b: {  	s6 =	sld [smem:$0x3FAB]  }
0x2c: {  	s7 =	sld [smem:$0x3FAC]  }
0x2d: {  	s3 =	simm.s32 $0x108;
	s8 =	sld [smem:$0x3FAD]  }
0x2e: {  	s3 =	simm.s32 @!p0 $0x1082;
	s9 =	sld [smem:$0x3FAE]  }
0x2f: {  	lr =	sadd.s32 s0, s3;
	s0 =	sld [smem:$0x3FA5]  }
0x30: {  	s3 =	sld [smem:$0x3FA8]  }
0x31: {  	[smem:$0x3FB1] =	sst s10  }
0x32: {  	s10 =	sld [smem:$0x3FAF];
	_ =	sdelay $0x3  }
0x33: {  	p0 =	seq.s32 s10, $0x1;
	s10 =	sld [smem:$0x3FB1];
	_ =	sdelay $0x3  }
0x34: {  	[smem:$0x3FB1] =	sst s10  }
0x35: {  	s10 =	sld [smem:$0x3FB0];
	_ =	sdelay $0x3  }
0x36: {  	p1 =	seq.s32 s10, $0x1;
	s10 =	sld [smem:$0x3FB1];
	_ =	sdelay $0x3  }
0x37: {  	[smem:$0x3FB1] =	sst s10  }
0x38: {  	s10 =	sld [smem:$0x3FB2]  }
0x39: {  	_ = 	snop;
	(pc) =	sbr.ind lr, $3  }
0x3a: {  	_ = 	snop  }
0x3b: {  	_ = 	snop  }
0x3c: {  	p2 =	seq.s32 s10, $0x1;
	s10 =	sld [smem:$0x3FB1]  }
0x3d: {  	_ =	shalt  }
0x3e: {  	_ =	shalt  }
0x3f: {  	_ =	shalt  }
0x40: {  	_ =	shalt  }
0x41: {  	_ =	shalt  }
0x42: {  	_ =	shalt  }
0x43: {  	_ =	shalt  }
0x44: {  	_ =	shalt  }
0x45: {  	_ =	shalt  }
0x46: {  	_ =	shalt  }
0x47: {  	_ =	shalt  }
0x48: {  	_ =	shalt  }
0x49: {  	_ =	shalt  }
0x4a: {  	_ =	shalt  }
0x4b: {  	_ =	shalt  }
0x4c: {  	_ =	shalt  }
0x4d: {  	_ =	shalt  }
0x4e: {  	_ =	shalt  }
0x4f: {  	_ =	shalt  }
0x50: {  	_ =	shalt  }
0x51: {  	_ =	shalt  }
0x52: {  	_ =	shalt  }
0x53: {  	_ =	shalt  }
0x54: {  	_ =	shalt  }
0x55: {  	_ =	shalt  }
0x56: {  	_ =	shalt  }
0x57: {  	_ =	shalt  }
0x58: {  	_ =	shalt  }
0x59: {  	_ =	shalt  }
0x5a: {  	_ =	shalt  }
0x5b: {  	_ =	shalt  }
0x5c: {  	_ =	shalt  }
0x5d: {  	_ =	shalt  }
0x5e: {  	_ =	shalt  }
0x5f: {  	_ =	shalt  }
0x60: {  	_ =	shalt  }
0x61: {  	_ =	shalt  }
0x62: {  	_ =	shalt  }
0x63: {  	_ =	shalt  }
0x64: {  	_ =	shalt  }
0x65: {  	_ =	shalt  }
0x66: {  	_ =	shalt  }
0x67: {  	_ =	shalt  }
0x68: {  	_ =	shalt  }
0x69: {  	_ =	shalt  }
0x6a: {  	_ =	shalt  }
0x6b: {  	_ =	shalt  }
0x6c: {  	_ =	shalt  }
0x6d: {  	_ =	shalt  }
0x6e: {  	_ =	shalt  }
0x6f: {  	_ =	shalt  }
0x70: {  	_ =	shalt  }
0x71: {  	_ =	shalt  }
0x72: {  	_ =	shalt  }
0x73: {  	_ =	shalt  }
0x74: {  	_ =	shalt  }
0x75: {  	_ =	shalt  }
0x76: {  	_ =	shalt  }
0x77: {  	_ =	shalt  }
0x78: {  	_ =	shalt  }
0x79: {  	_ =	shalt  }
0x7a: {  	_ =	shalt  }
0x7b: {  	_ =	shalt  }
0x7c: {  	_ =	shalt  }
0x7d: {  	_ =	shalt  }
0x7e: {  	_ =	shalt  }
0x7f: {  	_ =	shalt  }
0x80: {  	_ =	shalt  }
0x81: {  	_ =	shalt  }
0x82: {  	_ =	shalt  }
0x83: {  	_ =	shalt  }
0x84: {  	_ =	shalt  }
0x85: {  	_ =	shalt  }
0x86: {  	_ =	shalt  }
0x87: {  	_ =	shalt  }
.Lfunc_end0:
.L_simem_size_0:
called_computation_lowered:
.L_overlay_start_0:
0x88: {  	s2 =	sld [smem:$0x3FD9]  }
0x89: {  	s3 =	sld [smem:$0x3FFE];
	_ =	sdelay $0x1  }
0x8a: {  	s1 =	srdreg.scid  }
0x8b: {  	s0 =	sand.u32 $0x1, s1  }
0x8c: {  	s17 =	sshll.u32 s0, $0xA;
	s2 =	sadd.s32 s3, s2  }
0x8d: {  	s2 =	sadd.s32 s2, s17  }
0x8e: {  	[smem:$0x3FBD] =	sst s2  }
0x8f: {  	_ = 	snop  }
0x90: {  	s2 =	sld [smem:$0x3FD0];
	(tm) =	ssettm $0x1  }
0x91: {  	s18 =	sld [smem:$0x3FFB];
	_ =	sdelay $0x3  }
0x92: {  	_ =	strace s18  }
0x93: {  	s3 =	sld [smem:$0x3FFC];
	_ =	sdelay $0x3  }
0x94: {  	_ =	strace s3  }
0x95: {  	s3 =	sld [smem:$0x3FFD];
	_ =	sdelay $0x3  }
0x96: {  	_ =	strace s3  }
0x97: {  	_ =	strace $0x8FFFFFFF  }
0x98: {  	s19 =	sld [smem:$0x3FDB];
	_ =	sdelay $0x1  }
0x99: {  	s4 =	simm.s32 $_scs_section_size  }
0x9a: {  	s5 =	simm.s32 $_size__tile_overlayer_lowered;
	s6 =	simm.s32 $_tile_overlayer_lowered  }
0x9b: {  	s22 =	simm.s32 $0x1BFF;
	s21 =	sshll.u32 s6, $0x1;
	s3 =	sadd.s32 s4, s19  }
0x9c: {  	s7 =	simm.s32 $0x0;
	s20 =	sshll.u32 s5, $0x1;
	s5 =	sadd.s32 s21, s3  }
0x9d: {  	[timem:s7], [sflag:s22] =	dma.local [hbm:s5], s20  }
0x9e: {  	_ =	swait.ge [sflag:s22], s20  }
0x9f: {  	s4 =	ssub.s32 $0x0, s20;
	[sflag:s22] =	ssyncset.done $0x0  }
0xa0: {  	[sflag:s22] =	ssyncadd.s32 s4;
	_ =	sdelay $0x1  }
0xa1: {  	s23 =	simm.s32 $0x1B8B  }
0xa2: {  	_ =	swait.ge [sflag:s23], $0x1  }
0xa3: {  	[sflag:s23] =	ssyncset.done $0x0  }
0xa4: {  	s25 =	simm.s32 $0x1B8E;
	s24 =	sld [smem:$0x3FFE];
	[sflag:s23] =	ssyncadd.s32 $0xFFFFFFFF  }
0xa5: {  	s26 =	simm.s32 $execute0_lowered;
	[smem:$0x3FD2] =	sst s25  }
0xa6: {  	s5 =	sshll.u32 s26, $0x1;
	_ =	strace $0x80000046;
	[dreg:$0x1] =	wrdreg $0xFFFFFFFF  }
0xa7: {  	s28 =	simm.s32 $_size_execute0_lowered;
	s3 =	sadd.s32 s3, s5;
	[dreg:$0x0] =	wrdreg $0x0  }
0xa8: {  	s5 =	sshll.u32 s28, $0x1;
	[dreg:$0x2] =	wrdreg s3  }
0xa9: {  	[dreg:$0x3] =	wrdreg s5  }
0xaa: {  	[dreg:$0x4] =	wrdreg $0xC0  }
0xab: {  	_ =	task [dreg:s7], $0x5FFFF  }
0xac: {  	[dreg:$0x1] =	wrdreg $0xFFFFFFFF  }
0xad: {  	[dreg:$0x0] =	wrdreg $0x60  }
0xae: {  	[dreg:$0x2] =	wrdreg s24  }
0xaf: {  	[dreg:$0x3] =	wrdreg s2  }
0xb0: {  	[dreg:$0x4] =	wrdreg $0x9  }
0xb1: {  	_ =	task.clear_ibuf [dreg:s7], $0x5FFFF;
	_ =	strace $0x90000046  }
0xb2: {  	s29 =	simm.s32 $0x9;
	_ =	strace $0x80000048  }
0xb3: {  	_ =	swait.ge [sflag:s29], $0x1  }
0xb4: {  	[sflag:s29] =	ssyncadd.s32 $0xFFFFFFFF  }
0xb5: {  	_ =	strace $0x90000048  }
0xb6: {  	_ =	sfence  }
0xb7: {  	s30 =	sld [smem:$0x0];
	_ =	sdelay $0x2  }
0xb8: {  	s31 =	sshll.u32 s1, $0xD;
	s1 =	sshrl.u32 s1, $0x2  }
0xb9: {  	s3 =	sand.u32 $0x4000, s31;
	s1 =	sadd.s32 s1, s30  }
0xba: {  	s0 =	sor.u32 s3, s0;
	s1 =	sshll.u32 s1, $0x11  }
0xbb: {  	s0 =	sor.u32 s1, s0  }
0xbc: {  	s0 =	sadd.s32 $0x8F2B, s0  }
0xbd: {  	[sflag:s0] =	ssyncadd.remote.s32 $0x1  }
0xbe: {  	_ =	sfence.sel $0xFFFF  }
0xbf: {  	[dreg:$0x0] =	wrdreg $0xFFFFFFFF;
	(pc) =	sbr.abs _section_cstart, $3  }
0xc0: {  	[dreg:$0x1] =	wrdreg $0xFFFFFFFF  }
0xc1: {  	_ =	task.clear_ibuf [dreg:s7], $0x2FFFF;
	_ =	strace $0x9FFFFFFF  }
0xc2: {  	(tm) =	ssettm $0x7FFFFFFF  }
0xc3: {  	_ =	shalt  }
tec
execute0_lowered:
.L_overlay_start_1:
0x0: {  	(tag) =	ssettag $0x1  }
0x1: {  	s5 =	rddreg [dreg:$0x0]  }
0x2: {  	s2 =	rddreg [dreg:$0x1];
	s3 =	srdreg.scid  }
0x3: {  	s0 =	rddreg [dreg:$0x2];
	s1 =	stileid.u32;
	s9 =	simm.s32 $0x80  }
0x4: {  	s10 =	simm.s32 $0x880;
	s11 =	simm.s32 $0xC80;
	s12 =	simm.s32 $0x1480  }
0x5: {  	s13 =	simm.s32 $0x1880;
	s14 =	simm.s32 $0x2080;
	s15 =	simm.s32 $0x2480  }
0x6: {  	s16 =	simm.s32 $0x2C80;
	s17 =	simm.s32 $0x3080;
	s18 =	simm.s32 $0x3880  }
0x7: {  	s19 =	simm.s32 $0x3C80;
	s20 =	simm.s32 $0x4480;
	s21 =	simm.s32 $0x4880  }
0x8: {  	s22 =	simm.s32 $0x5080;
	s23 =	simm.s32 $0x5480;
	s24 =	simm.s32 $0x5C80  }
0x9: {  	s25 =	simm.s32 $0x1;
	s4 =	sand.u32 $0x1, s3;
	s3 =	simm.s32 $0x0  }
0xa: {  	s6 =	sshll.u32 s1, $0x4;
	s7 =	sshll.u32 s4, $0x3;
	s4 =	ssub.s32 $0x2, s4  }
0xb: {  	[smem:$0x7FF] =	sst s3;
	s6 =	sor.u32 s7, s6;
	s8 =	sshrl.u32 s4, $0x1  }
0xc: {  	v2 =	vlaneseq.u32;
	s7 =	sadd.s32 s6, s5;
	s6 =	smul.u32 $0x180, s6;
	s8 =	ssub.s32 s4, s8  }
0xd: {  	vm0 =	vmmov $0xffff;
	vm1 =	vmmov $0xff;
	v1 =	vshrl.u32 v2, $0x3;
	_ =	strace $0x80000047;
	s4 =	sadd.s32 $0x18000, s7;
	s7 =	smax.u32 s8, $0x1  }
0xe: {  	v0 =	vand.u32 $0x7, v2;
	v2 =	vor.u32 $0x8, v2;
	v1 =	vmul.u32 $0x8, v1;
	s8 =	simm.s32 $0x2;
	s5 =	sadd.s32 s5, s6;
	s6 =	sadd.s32 $0x100, s2  }
.LBB2_1:
0xf: {  	[tilespmem:s3], [sflag:$0x2] =	stream.linear.gather [hbm4b:s4+s3], $0x40, $0x38;
	[tilespmem:$0x6080] =	vst v63  }
0x10: {  	_ =	swait.ge [sflag:s8], $0x40  }
0x11: {  	[sflag:s8] =	ssyncset.done $0x0  }
0x12: {  	[sflag:s8] =	ssyncadd.s32 $0xFFFFFFC0  }
0x13: {  	[tilespmem:s9], [sflag:$0x2] =	stream.linear.gather [hbm4b:s5+s3], $0x6000, $0x38;
	[tilespmem:$0x6080] =	vst v63  }
0x14: {  	_ =	swait.ge [sflag:s8], $0x6000  }
0x15: {  	[sflag:s8] =	ssyncset.done $0x0  }
0x16: {  	[sflag:s8] =	ssyncadd.s32 $0xFFFFA000  }
0x17: {  	v3 =	vld [tilespmem:$0x0];
	_ =	sdelay $0x4  }
0x18: {  	v4 =	vshrl.u32 v3, $0x3  }
0x19: {  	v4 =	vmul.u32 $0x18, v4  }
0x1a: {  	v3 =	vand.u32 $0x7, v3  }
0x1b: {  	v3 =	vor.u32 v3, v4  }
0x1c: {  	v4 =	vperm.xlane v3, v0;
	_ =	sdelay $0x1  }
0x1d: {  	v4 =	vadd.s32 v1, v4;
	_ =	sdelay $0x1  }
0x1e: {  	v3 =	vperm.xlane v3, v2;
	_ =	sdelay $0x1  }
0x1f: {  	v3 =	vadd.s32 v1, v3  }
0x20: {  	[hbm4b:s2+s3] =	stream.indirect_vreg.scatter [tilespmem:s9], [sflag:$0x1], $0x80, v4, vm0, $0xb8;
	[tilespmem:$0x6080] =	vst v63  }
0x21: {  	_ = 	snop  }
0x22: {  	[hbm4b:s6+s3] =	stream.indirect_vreg.scatter [tilespmem:s10], [sflag:$0x1], $0x80, v4, vm1, $0xb8;
	[tilespmem:$0x6080] =	vst v63  }
0x23: {  	_ = 	snop  }
0x24: {  	[hbm4b:s2+s3] =	stream.indirect_vreg.scatter [tilespmem:s11], [sflag:$0x1], $0x80, v3, vm0, $0xb8;
	[tilespmem:$0x6080] =	vst v63  }
0x25: {  	_ = 	snop  }
0x26: {  	[hbm4b:s6+s3] =	stream.indirect_vreg.scatter [tilespmem:s12], [sflag:$0x1], $0x80, v3, vm1, $0xb8;
	[tilespmem:$0x6080] =	vst v63  }
0x27: {  	v3 =	vld [tilespmem:$0x10];
	_ =	sdelay $0x4  }
0x28: {  	v61 =	vshrl.u32 v3, $0x3  }
0x29: {  	v4 =	vmul.u32 $0x18, v61  }
0x2a: {  	v3 =	vand.u32 $0x7, v3  }
0x2b: {  	v3 =	vor.u32 v3, v4  }
0x2c: {  	v4 =	vperm.xlane v3, v0;
	_ =	sdelay $0x1  }
0x2d: {  	v4 =	vadd.s32 v1, v4;
	_ =	sdelay $0x1  }
0x2e: {  	v3 =	vperm.xlane v3, v2;
	_ =	sdelay $0x1  }
0x2f: {  	v3 =	vadd.s32 v1, v3  }
0x30: {  	[hbm4b:s2+s3] =	stream.indirect_vreg.scatter [tilespmem:s13], [sflag:$0x1], $0x80, v4, vm0, $0xb8;
	[tilespmem:$0x6080] =	vst v63  }
0x31: {  	_ = 	snop  }
0x32: {  	[hbm4b:s6+s3] =	stream.indirect_vreg.scatter [tilespmem:s14], [sflag:$0x1], $0x80, v4, vm1, $0xb8;
	[tilespmem:$0x6080] =	vst v63  }
0x33: {  	_ = 	snop  }
0x34: {  	[hbm4b:s2+s3] =	stream.indirect_vreg.scatter [tilespmem:s15], [sflag:$0x1], $0x80, v3, vm0, $0xb8;
	[tilespmem:$0x6080] =	vst v63  }
0x35: {  	_ = 	snop  }
0x36: {  	[hbm4b:s6+s3] =	stream.indirect_vreg.scatter [tilespmem:s16], [sflag:$0x1], $0x80, v3, vm1, $0xb8;
	[tilespmem:$0x6080] =	vst v63  }
0x37: {  	v3 =	vld [tilespmem:$0x20];
	_ =	sdelay $0x4  }
0x38: {  	v62 =	vshrl.u32 v3, $0x3  }
0x39: {  	v4 =	vmul.u32 $0x18, v62  }
0x3a: {  	v3 =	vand.u32 $0x7, v3  }
0x3b: {  	v3 =	vor.u32 v3, v4  }
0x3c: {  	v4 =	vperm.xlane v3, v0;
	_ =	sdelay $0x1  }
0x3d: {  	v4 =	vadd.s32 v1, v4;
	_ =	sdelay $0x1  }
0x3e: {  	v3 =	vperm.xlane v3, v2;
	_ =	sdelay $0x1  }
0x3f: {  	v3 =	vadd.s32 v1, v3  }
0x40: {  	[hbm4b:s2+s3] =	stream.indirect_vreg.scatter [tilespmem:s17], [sflag:$0x1], $0x80, v4, vm0, $0xb8;
	[tilespmem:$0x6080] =	vst v63  }
0x41: {  	_ = 	snop  }
0x42: {  	[hbm4b:s6+s3] =	stream.indirect_vreg.scatter [tilespmem:s18], [sflag:$0x1], $0x80, v4, vm1, $0xb8;
	[tilespmem:$0x6080] =	vst v63  }
0x43: {  	_ = 	snop  }
0x44: {  	[hbm4b:s2+s3] =	stream.indirect_vreg.scatter [tilespmem:s19], [sflag:$0x1], $0x80, v3, vm0, $0xb8;
	[tilespmem:$0x6080] =	vst v63  }
0x45: {  	_ = 	snop  }
0x46: {  	[hbm4b:s6+s3] =	stream.indirect_vreg.scatter [tilespmem:s20], [sflag:$0x1], $0x80, v3, vm1, $0xb8;
	[tilespmem:$0x6080] =	vst v63  }
0x47: {  	v3 =	vld [tilespmem:$0x30];
	_ =	sdelay $0x4  }
0x48: {  	v63 =	vshrl.u32 v3, $0x3  }
0x49: {  	v4 =	vmul.u32 $0x18, v63  }
0x4a: {  	v3 =	vand.u32 $0x7, v3  }
0x4b: {  	v3 =	vor.u32 v3, v4  }
0x4c: {  	v4 =	vperm.xlane v3, v0;
	_ =	sdelay $0x1  }
0x4d: {  	v4 =	vadd.s32 v1, v4;
	_ =	sdelay $0x1  }
0x4e: {  	v3 =	vperm.xlane v3, v2;
	_ =	sdelay $0x1  }
0x4f: {  	v3 =	vadd.s32 v1, v3  }
0x50: {  	[hbm4b:s2+s3] =	stream.indirect_vreg.scatter [tilespmem:s21], [sflag:$0x1], $0x80, v4, vm0, $0xb8;
	[tilespmem:$0x6080] =	vst v63  }
0x51: {  	_ = 	snop  }
0x52: {  	[hbm4b:s6+s3] =	stream.indirect_vreg.scatter [tilespmem:s22], [sflag:$0x1], $0x80, v4, vm1, $0xb8;
	[tilespmem:$0x6080] =	vst v63  }
0x53: {  	p0 =	sne.s32 s7, $0x1  }
0x54: {  	[hbm4b:s2+s3] =	stream.indirect_vreg.scatter [tilespmem:s23], [sflag:$0x1], $0x80, v3, vm0, $0xb8;
	[tilespmem:$0x6080] =	vst v63  }
.Ltmp0:
0x55: {  	_ = 	snop;
	(pc) =	sbr.rel @p0 .LBB2_1-.Ltmp0, $4  }
0x56: {  	[hbm4b:s6+s3] =	stream.indirect_vreg.scatter [tilespmem:s24], [sflag:$0x1], $0x80, v3, vm1, $0xb8;
	[tilespmem:$0x6080] =	vst v63  }
0x57: {  	_ =	swait.ge [sflag:s25], $0x6000  }
0x58: {  	[sflag:s25] =	ssyncset.done $0x0  }
0x59: {  	s7 =	sadd.s32 $0xFFFFFFFF, s7;
	[sflag:s25] =	ssyncadd.s32 $0xFFFFA000  }
0x5a: {  	_ =	sfence.sel $0x180000  }
0x5b: {  	[bflag:$0x0] =	sbarrier.arrive $0xFFFF  }
0x5c: {  	p0 =	sne.s32 s1, $0x0;
	_ =	strace $0x90000047  }
0x5d: {  	s0 =	sadd.s32 @!p0 $0x100000, s0;
	[bflag:$0x2] =	sbarrier.arrive $0xFFFF  }
0x5e: {  	[sflag:s0] =	ssyncadd.tile.s32 @!p0 $0x1;
	_ =	shalt  }
.Lfunc_end2:
_tile_overlayer_lowered:
.L_overlay_start_2:
0x5f: {  	(tag) =	ssettag $0x2  }
0x60: {  	s0 =	rddreg [dreg:$0x0];
	s2 =	stileid.u32  }
0x61: {  	s1 =	rddreg [dreg:$0x1];
	p0 =	sne.s32 s2, $0x0  }
0x62: {  	s3 =	rddreg [dreg:$0x2];
	[bflag:$0x3] =	sbarrier.arrive $0xFFFF;
	s2 =	simm.s32 @!p0 $0x1C02  }
0x63: {  	[timem:s3], [sflag:s2] =	dma.local @!p0 [hbm:s0], s1  }
0x64: {  	s0 =	simm.s32 @!p0 $0x2  }
0x65: {  	_ =	swait.ge @!p0 [sflag:s0], s1  }
0x66: {  	s1 =	ssub.s32 @!p0 $0x0, s1;
	[sflag:s0] =	ssyncset.done @!p0 $0x0  }
0x67: {  	[sflag:s0] =	ssyncadd.s32 @!p0 s1  }
0x68: {  	[bflag:$0x3] =	sbarrier.arrive $0xFFFF  }
0x69: {  	_ =	shalt  }

</sc_bundles>
